<compile_context>
chip_gen: v7x
topology: tpu7x:2x2x1
jax: 0.10.2.dev20260603
libtpu: 0.0.44.dev20260713+nightly
codegen_flags: <defaults>
</compile_context>

<pallas_src>
import functools

import jax
import jax.numpy as jnp
from jax import lax
from jax.experimental import pallas as pl
from jax.experimental.pallas import tpu as pltpu
from jax.experimental.pallas import tpu_sc as plsc

N_TOK = 32768
D = 4
B = 16
C = 1024
TPC = C // 128
NT = N_TOK // 128
WT = TPC + 1
TA_MAX = NT - WT
PAD = 16
WB = PAD + WT * 128 + 16

_mesh = plsc.VectorSubcoreMesh(core_axis_name="c", subcore_axis_name="s")


@functools.partial(
    pl.kernel,
    mesh=_mesh,
    out_type=jax.ShapeDtypeStruct((NT, D, 128), jnp.float32),
    compiler_params=pltpu.CompilerParams(use_tc_tiling_on_sc=False),
    scratch_types=[
        pltpu.VMEM((33,), jnp.int32),
        pltpu.VMEM((TPC, D, 128), jnp.float32),
        pltpu.VMEM((WT, D, 128), jnp.float32),
        pltpu.VMEM((WT, D, 128), jnp.float32),
        *[pltpu.VMEM((WB,), jnp.float32) for _ in range(D)],
        *[pltpu.VMEM((WB,), jnp.float32) for _ in range(D)],
        pltpu.SemaphoreType.DMA,
        pltpu.SemaphoreType.DMA,
        pltpu.SemaphoreType.DMA,
    ],
)
def _normalize_sc(x_hbm, ptr_hbm, mean_hbm, std_hbm, out_hbm,
                  ptr_v, x_v, m3, s3, m0, m1, m2, m3v, s0, s1, s2, s3v,
                  sem_x, sem_m, sem_s):
    mv = [m0, m1, m2, m3v]
    sv = [s0, s1, s2, s3v]
    wid = lax.axis_index("s") * 2 + lax.axis_index("c")
    c0 = wid * C
    t0 = wid * TPC

    cx = pltpu.async_copy(x_hbm.at[pl.ds(t0, TPC)], x_v, sem_x)

    pltpu.sync_copy(ptr_hbm, ptr_v.at[pl.ds(0, 17)])

    cx.wait()

    lane = lax.iota(jnp.int32, 16)

    def seg_body(s, carry):
        start_s = ptr_v[pl.ds(s, 16)][0]
        end_s = ptr_v[pl.ds(s + 1, 16)][0]
        hit = jnp.logical_and(
            jnp.logical_and(start_s < c0 + C, end_s > c0), end_s > start_s
        )

        @pl.when(hit)
        def _():
            d0 = jnp.maximum(start_s - c0, 0)
            dend = jnp.minimum(end_s - c0, C)
            src0 = jnp.maximum(c0 - start_s, 0)
            ta = jnp.minimum(lax.shift_right_logical(src0, 7), TA_MAX)
            cm = pltpu.async_copy(mean_hbm.at[pl.ds(ta, WT)], m3, sem_m)
            cs = pltpu.async_copy(std_hbm.at[pl.ds(ta, WT)], s3, sem_s)
            cm.wait()
            cs.wait()

            def rearrange(t, carry):
                for j in range(D):
                    for k in range(128 // 16):
                        o16 = k * 16
                        mv[j][pl.ds(PAD + t * 128 + o16, 16)] = (
                            m3[t, j, pl.ds(o16, 16)])
                        sv[j][pl.ds(PAD + t * 128 + o16, 16)] = (
                            s3[t, j, pl.ds(o16, 16)])
                return carry

            lax.fori_loop(0, WT, rearrange, 0)

            woff = c0 - start_s - ta * 128 + PAD

            def body(g, carry):
                o = g * 16
                t = lax.shift_right_logical(o, 7)
                p = lax.bitwise_and(o, 127)
                pos = lane + o
                mask = jnp.logical_and(pos >= d0, pos < dend)
                off = o + woff
                for j in range(D):
                    xj = x_v[t, j, pl.ds(p, 16)]
                    mj = mv[j][pl.ds(off, 16)]
                    sj = sv[j][pl.ds(off, 16)]
                    yj = (xj - mj) / sj
                    x_v[t, j, pl.ds(p, 16)] = jnp.where(mask, yj, xj)
                return carry

            g0 = lax.shift_right_logical(d0, 4)
            g1 = lax.shift_right_logical(dend - 1, 4) + 1
            lax.fori_loop(g0, g1, body, 0)

        return carry

    lax.fori_loop(0, B, seg_body, 0)

    pltpu.async_copy(x_v, out_hbm.at[pl.ds(t0, TPC)], sem_x).wait()


def kernel(x, ptr, mean, std):
    xr = x.reshape(NT, 128, D).swapaxes(1, 2)
    mr = mean.reshape(NT, 128, D).swapaxes(1, 2)
    sr = std.reshape(NT, 128, D).swapaxes(1, 2)
    yr = _normalize_sc(xr, ptr.astype(jnp.int32), mr, sr)
    return yr.swapaxes(1, 2).reshape(N_TOK, D)

# --- scband reference (transcript-rebuilt; emitter-appended) ---
"""Pipeline reference for scband-individual-normal-79766132621859 (READ-ONLY COPY).

The authoritative reference and input builder live on the scoring server;
editing this copy changes nothing except your own understanding.
"""

import jax, jax.numpy as jnp
import numpy as np

N_TOK = 32768
B = 16
D = 4

def setup_inputs(seed: int = 0) -> dict:
    key = jax.random.key(seed)
    k1, k2, k3, k4 = jax.random.split(key, 4)
    x = jax.random.normal(k1, (N_TOK, D), dtype=jnp.float32)
    # ragged segment boundaries: ptr[0]=0, ptr[-1]=N_TOK, interior sorted
    inner = jnp.sort(jax.random.randint(k2, (B - 1,), 0, N_TOK + 1))
    ptr = jnp.concatenate([
        jnp.zeros((1,), dtype=jnp.int32),
        inner.astype(jnp.int32),
        jnp.full((1,), N_TOK, dtype=jnp.int32),
    ]).astype(jnp.int64)
    # learned per-position normalization stats (set by init_fit in torch);
    # sized to cover the longest possible segment
    mean = jax.random.normal(k3, (N_TOK, D), dtype=jnp.float32)
    std = jax.random.uniform(k4, (N_TOK, D), minval=0.5, maxval=1.5, dtype=jnp.float32)
    return {"x": x, "ptr": ptr, "mean": mean, "std": std}

def reference(x, ptr, mean, std):
    N = x.shape[0]
    # idx = within-segment position of each token
    seg_starts = ptr[:-1]
    seg_lens = jnp.diff(ptr)
    offsets = jnp.repeat(seg_starts, seg_lens, total_repeat_length=N)
    idx = jnp.arange(N, dtype=ptr.dtype) - offsets
    y = (x - jnp.take(mean, idx, axis=0)) / jnp.take(std, idx, axis=0)
    return y

if __name__ == "__main__":
    import jax
    _d = setup_inputs()
    print(jax.jit(kernel)(*tuple(_d.values())))

</pallas_src>

<mosaic_0001>
#map = affine_map<(d0, d1) -> (0, 0, 0)>
#map1 = affine_map<(d0, d1) -> (0)>
module attributes {stable_mosaic.version = 14 : i64} {
  func.func @_normalize_sc(%arg0: i32, %arg1: i32, %arg2: memref<256x4x128xf32, #tpu.memory_space<hbm>>, %arg3: memref<17xi32, #tpu.memory_space<hbm>>, %arg4: memref<256x4x128xf32, #tpu.memory_space<hbm>>, %arg5: memref<256x4x128xf32, #tpu.memory_space<hbm>>, %arg6: memref<256x4x128xf32, #tpu.memory_space<hbm>>, %arg7: memref<33xi32, #tpu.memory_space<vmem>>, %arg8: memref<8x4x128xf32, #tpu.memory_space<vmem>>, %arg9: memref<9x4x128xf32, #tpu.memory_space<vmem>>, %arg10: memref<9x4x128xf32, #tpu.memory_space<vmem>>, %arg11: memref<1184xf32, #tpu.memory_space<vmem>>, %arg12: memref<1184xf32, #tpu.memory_space<vmem>>, %arg13: memref<1184xf32, #tpu.memory_space<vmem>>, %arg14: memref<1184xf32, #tpu.memory_space<vmem>>, %arg15: memref<1184xf32, #tpu.memory_space<vmem>>, %arg16: memref<1184xf32, #tpu.memory_space<vmem>>, %arg17: memref<1184xf32, #tpu.memory_space<vmem>>, %arg18: memref<1184xf32, #tpu.memory_space<vmem>>, %arg19: memref<!tpu.dma_semaphore, #tpu.memory_space<semaphore_mem>>, %arg20: memref<!tpu.dma_semaphore, #tpu.memory_space<semaphore_mem>>, %arg21: memref<!tpu.dma_semaphore, #tpu.memory_space<semaphore_mem>>) attributes {dimension_semantics = [#tpu.dimension_semantics<core_parallel>, #tpu.dimension_semantics<subcore_parallel>], iteration_bounds = array<i64: 2, 16>, scalar_prefetch = 0 : i64, scratch_operands = 15 : i64, tpu.core_type = #tpu.core_type<sc_vector_subcore>, window_params = [{transform_indices = #map}, {transform_indices = #map1}, {transform_indices = #map}, {transform_indices = #map}, {transform_indices = #map}]} {
    %mul3A = arith.constant 2 : i32
    %mul3A_0 = arith.muli %arg1, %mul3A : i32
    %add3A = arith.addi %mul3A_0, %arg0 : i32
    %mul3A_1 = arith.constant 1024 : i32
    %mul3A_2 = arith.muli %add3A, %mul3A_1 : i32
    %mul3A_3 = arith.constant 8 : i32
    %mul3A_4 = arith.muli %add3A, %mul3A_3 : i32
    %dma_start3A = arith.constant 0 : i32
    %dma_start3A_5 = arith.constant 0 : i32
    %dma_start3A_6 = tpu.memref_slice %arg2[%mul3A_4, %dma_start3A, %dma_start3A_5] : memref<256x4x128xf32, #tpu.memory_space<hbm>> -> memref<8x4x128xf32, #tpu.memory_space<hbm>>
    %dma_start3A_7 = arith.constant 0 : i32
    %dma_start3A_8 = arith.constant 0 : i32
    %dma_start3A_9 = tpu.memref_slice %arg2[%mul3A_4, %dma_start3A_7, %dma_start3A_8] : memref<256x4x128xf32, #tpu.memory_space<hbm>> -> memref<8x4x128xf32, #tpu.memory_space<hbm>>
    tpu.enqueue_dma source(%dma_start3A_9 : memref<8x4x128xf32, #tpu.memory_space<hbm>>) target(%arg8 : memref<8x4x128xf32, #tpu.memory_space<vmem>>) target_semaphore(%arg19 : memref<!tpu.dma_semaphore, #tpu.memory_space<semaphore_mem>>)
    "tpu.region"() ({
      %run_scoped3A = tpu.sem_alloc : memref<!tpu.dma_semaphore, #tpu.memory_space<semaphore_mem>>
      %dma_start3A_32 = arith.constant 0 : i32
      %dma_start3A_33 = tpu.memref_slice %arg7[%dma_start3A_32] : memref<33xi32, #tpu.memory_space<vmem>> -> memref<17xi32, #tpu.memory_space<vmem>>
      %dma_start3A_34 = arith.constant 0 : i32
      %dma_start3A_35 = tpu.memref_slice %arg7[%dma_start3A_34] : memref<33xi32, #tpu.memory_space<vmem>> -> memref<17xi32, #tpu.memory_space<vmem>>
      tpu.enqueue_dma source(%arg3 : memref<17xi32, #tpu.memory_space<hbm>>) target(%dma_start3A_35 : memref<17xi32, #tpu.memory_space<vmem>>) target_semaphore(%run_scoped3A : memref<!tpu.dma_semaphore, #tpu.memory_space<semaphore_mem>>)
      %dma_wait3A_36 = arith.constant 0 : i32
      %dma_wait3A_37 = tpu.memref_slice %arg7[%dma_wait3A_36] : memref<33xi32, #tpu.memory_space<vmem>> -> memref<17xi32, #tpu.memory_space<vmem>>
      %dma_wait3A_38 = arith.constant 0 : i32
      %dma_wait3A_39 = tpu.memref_slice %arg7[%dma_wait3A_38] : memref<33xi32, #tpu.memory_space<vmem>> -> memref<17xi32, #tpu.memory_space<vmem>>
      tpu.wait_dma2 semaphore(%run_scoped3A : memref<!tpu.dma_semaphore, #tpu.memory_space<semaphore_mem>>) src(%arg3 : memref<17xi32, #tpu.memory_space<hbm>>) dst(%dma_wait3A_39 : memref<17xi32, #tpu.memory_space<vmem>>)
      tpu.yield
    }) : () -> ()
    %dma_wait3A = arith.constant 0 : i32
    %dma_wait3A_10 = arith.constant 0 : i32
    %dma_wait3A_11 = tpu.memref_slice %arg2[%mul3A_4, %dma_wait3A, %dma_wait3A_10] : memref<256x4x128xf32, #tpu.memory_space<hbm>> -> memref<8x4x128xf32, #tpu.memory_space<hbm>>
    %dma_wait3A_12 = arith.constant 0 : i32
    %dma_wait3A_13 = arith.constant 0 : i32
    %dma_wait3A_14 = tpu.memref_slice %arg2[%mul3A_4, %dma_wait3A_12, %dma_wait3A_13] : memref<256x4x128xf32, #tpu.memory_space<hbm>> -> memref<8x4x128xf32, #tpu.memory_space<hbm>>
    tpu.wait_dma2 semaphore(%arg19 : memref<!tpu.dma_semaphore, #tpu.memory_space<semaphore_mem>>) src(%dma_wait3A_14 : memref<8x4x128xf32, #tpu.memory_space<hbm>>) dst(%arg8 : memref<8x4x128xf32, #tpu.memory_space<vmem>>)
    %iota3A = tpu.iota {dimensions = array<i32: 0>} : vector<16xi32>
    %scan3A = arith.constant 0 : i32
    %scan3A_15 = arith.constant 0 : i32
    %scan3A_16 = arith.constant 16 : i32
    %scan3A_17 = arith.addi %scan3A_15, %scan3A_16 : i32
    %scan3A_18 = arith.constant 1 : i32
    scf.for %scan3A_32 = %scan3A_15 to %scan3A_17 step %scan3A_18  : i32 {
      %get3A = arith.index_cast %scan3A_32 : i32 to index
      %get3A_33 = tpu.vector_load %arg7[%get3A] {strides = array<i32>} : memref<33xi32, #tpu.memory_space<vmem>>, vector<16xi32>,
      %get3A_34 = vector.shape_cast %get3A_33 : vector<16xi32> to vector<16xi32>
      %slice3A = vector.extract_strided_slice %get3A_34 {offsets = [0], sizes = [1], strides = [1]} : vector<16xi32> to vector<1xi32>
      %squeeze3A = vector.extract %slice3A[0] : i32 from vector<1xi32>
      %add3A_35 = arith.constant 1 : i32
      %add3A_36 = arith.addi %scan3A_32, %add3A_35 : i32
      %get3A_37 = arith.index_cast %add3A_36 : i32 to index
      %get3A_38 = tpu.vector_load %arg7[%get3A_37] {strides = array<i32>} : memref<33xi32, #tpu.memory_space<vmem>>, vector<16xi32>,
      %get3A_39 = vector.shape_cast %get3A_38 : vector<16xi32> to vector<16xi32>
      %slice3A_40 = vector.extract_strided_slice %get3A_39 {offsets = [0], sizes = [1], strides = [1]} : vector<16xi32> to vector<1xi32>
      %squeeze3A_41 = vector.extract %slice3A_40[0] : i32 from vector<1xi32>
      %add3A_42 = arith.constant 1024 : i32
      %add3A_43 = arith.addi %mul3A_2, %add3A_42 : i32
      %lt3A = arith.cmpi slt, %squeeze3A, %add3A_43 : i32
      %gt3A = arith.cmpi sgt, %squeeze3A_41, %mul3A_2 : i32
      %and3A = arith.andi %lt3A, %gt3A : i1
      %gt3A_44 = arith.cmpi sgt, %squeeze3A_41, %squeeze3A : i32
      %and3A_45 = arith.andi %and3A, %gt3A_44 : i1
      %convert_element_type3A = arith.extui %and3A_45 : i1 to i32
      %cond3A = arith.constant 0 : i32
      %cond3A_46 = arith.cmpi ne, %convert_element_type3A, %cond3A : i32
      scf.if %cond3A_46 {
        %sub3A = arith.subi %squeeze3A, %mul3A_2 : i32
        %max3A = arith.constant 0 : i32
        %max3A_47 = arith.maxsi %sub3A, %max3A : i32
        %sub3A_48 = arith.subi %squeeze3A_41, %mul3A_2 : i32
        %min3A = arith.constant 1024 : i32
        %min3A_49 = arith.minsi %sub3A_48, %min3A : i32
        %sub3A_50 = arith.subi %mul3A_2, %squeeze3A : i32
        %max3A_51 = arith.constant 0 : i32
        %max3A_52 = arith.maxsi %sub3A_50, %max3A_51 : i32
        %shift_right_logical3A = arith.constant 7 : i32
        %shift_right_logical3A_53 = arith.shrui %max3A_52, %shift_right_logical3A : i32
        %min3A_54 = arith.constant 247 : i32
        %min3A_55 = arith.minsi %shift_right_logical3A_53, %min3A_54 : i32
        %dma_start3A_56 = arith.constant 0 : i32
        %dma_start3A_57 = arith.constant 0 : i32
        %dma_start3A_58 = tpu.memref_slice %arg4[%min3A_55, %dma_start3A_56, %dma_start3A_57] : memref<256x4x128xf32, #tpu.memory_space<hbm>> -> memref<9x4x128xf32, #tpu.memory_space<hbm>>
        %dma_start3A_59 = arith.constant 0 : i32
        %dma_start3A_60 = arith.constant 0 : i32
        %dma_start3A_61 = tpu.memref_slice %arg4[%min3A_55, %dma_start3A_59, %dma_start3A_60] : memref<256x4x128xf32, #tpu.memory_space<hbm>> -> memref<9x4x128xf32, #tpu.memory_space<hbm>>
        tpu.enqueue_dma source(%dma_start3A_61 : memref<9x4x128xf32, #tpu.memory_space<hbm>>) target(%arg9 : memref<9x4x128xf32, #tpu.memory_space<vmem>>) target_semaphore(%arg20 : memref<!tpu.dma_semaphore, #tpu.memory_space<semaphore_mem>>)
        %dma_start3A_62 = arith.constant 0 : i32
        %dma_start3A_63 = arith.constant 0 : i32
        %dma_start3A_64 = tpu.memref_slice %arg5[%min3A_55, %dma_start3A_62, %dma_start3A_63] : memref<256x4x128xf32, #tpu.memory_space<hbm>> -> memref<9x4x128xf32, #tpu.memory_space<hbm>>
        %dma_start3A_65 = arith.constant 0 : i32
        %dma_start3A_66 = arith.constant 0 : i32
        %dma_start3A_67 = tpu.memref_slice %arg5[%min3A_55, %dma_start3A_65, %dma_start3A_66] : memref<256x4x128xf32, #tpu.memory_space<hbm>> -> memref<9x4x128xf32, #tpu.memory_space<hbm>>
        tpu.enqueue_dma source(%dma_start3A_67 : memref<9x4x128xf32, #tpu.memory_space<hbm>>) target(%arg10 : memref<9x4x128xf32, #tpu.memory_space<vmem>>) target_semaphore(%arg21 : memref<!tpu.dma_semaphore, #tpu.memory_space<semaphore_mem>>)
        %dma_wait3A_68 = arith.constant 0 : i32
        %dma_wait3A_69 = arith.constant 0 : i32
        %dma_wait3A_70 = tpu.memref_slice %arg4[%min3A_55, %dma_wait3A_68, %dma_wait3A_69] : memref<256x4x128xf32, #tpu.memory_space<hbm>> -> memref<9x4x128xf32, #tpu.memory_space<hbm>>
        %dma_wait3A_71 = arith.constant 0 : i32
        %dma_wait3A_72 = arith.constant 0 : i32
        %dma_wait3A_73 = tpu.memref_slice %arg4[%min3A_55, %dma_wait3A_71, %dma_wait3A_72] : memref<256x4x128xf32, #tpu.memory_space<hbm>> -> memref<9x4x128xf32, #tpu.memory_space<hbm>>
        tpu.wait_dma2 semaphore(%arg20 : memref<!tpu.dma_semaphore, #tpu.memory_space<semaphore_mem>>) src(%dma_wait3A_73 : memref<9x4x128xf32, #tpu.memory_space<hbm>>) dst(%arg9 : memref<9x4x128xf32, #tpu.memory_space<vmem>>)
        %dma_wait3A_74 = arith.constant 0 : i32
        %dma_wait3A_75 = arith.constant 0 : i32
        %dma_wait3A_76 = tpu.memref_slice %arg5[%min3A_55, %dma_wait3A_74, %dma_wait3A_75] : memref<256x4x128xf32, #tpu.memory_space<hbm>> -> memref<9x4x128xf32, #tpu.memory_space<hbm>>
        %dma_wait3A_77 = arith.constant 0 : i32
        %dma_wait3A_78 = arith.constant 0 : i32
        %dma_wait3A_79 = tpu.memref_slice %arg5[%min3A_55, %dma_wait3A_77, %dma_wait3A_78] : memref<256x4x128xf32, #tpu.memory_space<hbm>> -> memref<9x4x128xf32, #tpu.memory_space<hbm>>
        tpu.wait_dma2 semaphore(%arg21 : memref<!tpu.dma_semaphore, #tpu.memory_space<semaphore_mem>>) src(%dma_wait3A_79 : memref<9x4x128xf32, #tpu.memory_space<hbm>>) dst(%arg10 : memref<9x4x128xf32, #tpu.memory_space<vmem>>)
        %scan3A_80 = arith.constant 0 : i32
        %scan3A_81 = arith.constant 0 : i32
        %scan3A_82 = arith.constant 9 : i32
        %scan3A_83 = arith.addi %scan3A_81, %scan3A_82 : i32
        %scan3A_84 = arith.constant 1 : i32
        scf.for %scan3A_108 = %scan3A_81 to %scan3A_83 step %scan3A_84  : i32 {
          %get3A_109 = arith.constant 0 : i32
          %get3A_110 = arith.index_cast %scan3A_108 : i32 to index
          %get3A_111 = arith.index_cast %get3A_109 : i32 to index
          %get3A_112 = arith.constant 0 : index
          %get3A_113 = tpu.vector_load %arg9[%get3A_110, %get3A_111, %get3A_112] {strides = array<i32>} : memref<9x4x128xf32, #tpu.memory_space<vmem>>, vector<1x1x16xf32>,
          %get3A_114 = vector.shape_cast %get3A_113 : vector<1x1x16xf32> to vector<16xf32>
          %mul3A_115 = arith.constant 128 : i32
          %mul3A_116 = arith.muli %scan3A_108, %mul3A_115 : i32
          %add3A_117 = arith.constant 16 : i32
          %add3A_118 = arith.addi %add3A_117, %mul3A_116 : i32
          %add3A_119 = arith.constant 0 : i32
          %add3A_120 = arith.addi %add3A_118, %add3A_119 : i32
          %swap3A = arith.index_cast %add3A_120 : i32 to index
          %swap3A_121 = tpu.vector_load %arg11[%swap3A] {strides = array<i32>} : memref<1184xf32, #tpu.memory_space<vmem>>, vector<16xf32>,
          %swap3A_122 = vector.shape_cast %swap3A_121 : vector<16xf32> to vector<16xf32>
          %swap3A_123 = vector.shape_cast %get3A_114 : vector<16xf32> to vector<16xf32>
          tpu.vector_store %arg11[%swap3A], %swap3A_123 {strides = array<i32>} : memref<1184xf32, #tpu.memory_space<vmem>>, vector<16xf32>,
          %get3A_124 = arith.constant 0 : i32
          %get3A_125 = arith.index_cast %scan3A_108 : i32 to index
          %get3A_126 = arith.index_cast %get3A_124 : i32 to index
          %get3A_127 = arith.constant 0 : index
          %get3A_128 = tpu.vector_load %arg10[%get3A_125, %get3A_126, %get3A_127] {strides = array<i32>} : memref<9x4x128xf32, #tpu.memory_space<vmem>>, vector<1x1x16xf32>,
          %get3A_129 = vector.shape_cast %get3A_128 : vector<1x1x16xf32> to vector<16xf32>
          %mul3A_130 = arith.constant 128 : i32
          %mul3A_131 = arith.muli %scan3A_108, %mul3A_130 : i32
          %add3A_132 = arith.constant 16 : i32
          %add3A_133 = arith.addi %add3A_132, %mul3A_131 : i32
          %add3A_134 = arith.constant 0 : i32
          %add3A_135 = arith.addi %add3A_133, %add3A_134 : i32
          %swap3A_136 = arith.index_cast %add3A_135 : i32 to index
          %swap3A_137 = tpu.vector_load %arg15[%swap3A_136] {strides = array<i32>} : memref<1184xf32, #tpu.memory_space<vmem>>, vector<16xf32>,
          %swap3A_138 = vector.shape_cast %swap3A_137 : vector<16xf32> to vector<16xf32>
          %swap3A_139 = vector.shape_cast %get3A_129 : vector<16xf32> to vector<16xf32>
          tpu.vector_store %arg15[%swap3A_136], %swap3A_139 {strides = array<i32>} : memref<1184xf32, #tpu.memory_space<vmem>>, vector<16xf32>,
          %get3A_140 = arith.constant 0 : i32
          %get3A_141 = arith.index_cast %scan3A_108 : i32 to index
          %get3A_142 = arith.index_cast %get3A_140 : i32 to index
          %get3A_143 = arith.constant 16 : index
          %get3A_144 = tpu.vector_load %arg9[%get3A_141, %get3A_142, %get3A_143] {strides = array<i32>} : memref<9x4x128xf32, #tpu.memory_space<vmem>>, vector<1x1x16xf32>,
          %get3A_145 = vector.shape_cast %get3A_144 : vector<1x1x16xf32> to vector<16xf32>
          %mul3A_146 = arith.constant 128 : i32
          %mul3A_147 = arith.muli %scan3A_108, %mul3A_146 : i32
          %add3A_148 = arith.constant 16 : i32
          %add3A_149 = arith.addi %add3A_148, %mul3A_147 : i32
          %add3A_150 = arith.constant 16 : i32
          %add3A_151 = arith.addi %add3A_149, %add3A_150 : i32
          %swap3A_152 = arith.index_cast %add3A_151 : i32 to index
          %swap3A_153 = tpu.vector_load %arg11[%swap3A_152] {strides = array<i32>} : memref<1184xf32, #tpu.memory_space<vmem>>, vector<16xf32>,
          %swap3A_154 = vector.shape_cast %swap3A_153 : vector<16xf32> to vector<16xf32>
          %swap3A_155 = vector.shape_cast %get3A_145 : vector<16xf32> to vector<16xf32>
          tpu.vector_store %arg11[%swap3A_152], %swap3A_155 {strides = array<i32>} : memref<1184xf32, #tpu.memory_space<vmem>>, vector<16xf32>,
          %get3A_156 = arith.constant 0 : i32
          %get3A_157 = arith.index_cast %scan3A_108 : i32 to index
          %get3A_158 = arith.index_cast %get3A_156 : i32 to index
          %get3A_159 = arith.constant 16 : index
          %get3A_160 = tpu.vector_load %arg10[%get3A_157, %get3A_158, %get3A_159] {strides = array<i32>} : memref<9x4x128xf32, #tpu.memory_space<vmem>>, vector<1x1x16xf32>,
          %get3A_161 = vector.shape_cast %get3A_160 : vector<1x1x16xf32> to vector<16xf32>
          %mul3A_162 = arith.constant 128 : i32
          %mul3A_163 = arith.muli %scan3A_108, %mul3A_162 : i32
          %add3A_164 = arith.constant 16 : i32
          %add3A_165 = arith.addi %add3A_164, %mul3A_163 : i32
          %add3A_166 = arith.constant 16 : i32
          %add3A_167 = arith.addi %add3A_165, %add3A_166 : i32
          %swap3A_168 = arith.index_cast %add3A_167 : i32 to index
          %swap3A_169 = tpu.vector_load %arg15[%swap3A_168] {strides = array<i32>} : memref<1184xf32, #tpu.memory_space<vmem>>, vector<16xf32>,
          %swap3A_170 = vector.shape_cast %swap3A_169 : vector<16xf32> to vector<16xf32>
          %swap3A_171 = vector.shape_cast %get3A_161 : vector<16xf32> to vector<16xf32>
          tpu.vector_store %arg15[%swap3A_168], %swap3A_171 {strides = array<i32>} : memref<1184xf32, #tpu.memory_space<vmem>>, vector<16xf32>,
          %get3A_172 = arith.constant 0 : i32
          %get3A_173 = arith.index_cast %scan3A_108 : i32 to index
          %get3A_174 = arith.index_cast %get3A_172 : i32 to index
          %get3A_175 = arith.constant 32 : index
          %get3A_176 = tpu.vector_load %arg9[%get3A_173, %get3A_174, %get3A_175] {strides = array<i32>} : memref<9x4x128xf32, #tpu.memory_space<vmem>>, vector<1x1x16xf32>,
          %get3A_177 = vector.shape_cast %get3A_176 : vector<1x1x16xf32> to vector<16xf32>
          %mul3A_178 = arith.constant 128 : i32
          %mul3A_179 = arith.muli %scan3A_108, %mul3A_178 : i32
          %add3A_180 = arith.constant 16 : i32
          %add3A_181 = arith.addi %add3A_180, %mul3A_179 : i32
          %add3A_182 = arith.constant 32 : i32
          %add3A_183 = arith.addi %add3A_181, %add3A_182 : i32
          %swap3A_184 = arith.index_cast %add3A_183 : i32 to index
          %swap3A_185 = tpu.vector_load %arg11[%swap3A_184] {strides = array<i32>} : memref<1184xf32, #tpu.memory_space<vmem>>, vector<16xf32>,
          %swap3A_186 = vector.shape_cast %swap3A_185 : vector<16xf32> to vector<16xf32>
          %swap3A_187 = vector.shape_cast %get3A_177 : vector<16xf32> to vector<16xf32>
          tpu.vector_store %arg11[%swap3A_184], %swap3A_187 {strides = array<i32>} : memref<1184xf32, #tpu.memory_space<vmem>>, vector<16xf32>,
          %get3A_188 = arith.constant 0 : i32
          %get3A_189 = arith.index_cast %scan3A_108 : i32 to index
          %get3A_190 = arith.index_cast %get3A_188 : i32 to index
          %get3A_191 = arith.constant 32 : index
          %get3A_192 = tpu.vector_load %arg10[%get3A_189, %get3A_190, %get3A_191] {strides = array<i32>} : memref<9x4x128xf32, #tpu.memory_space<vmem>>, vector<1x1x16xf32>,
          %get3A_193 = vector.shape_cast %get3A_192 : vector<1x1x16xf32> to vector<16xf32>
          %mul3A_194 = arith.constant 128 : i32
          %mul3A_195 = arith.muli %scan3A_108, %mul3A_194 : i32
          %add3A_196 = arith.constant 16 : i32
          %add3A_197 = arith.addi %add3A_196, %mul3A_195 : i32
          %add3A_198 = arith.constant 32 : i32
          %add3A_199 = arith.addi %add3A_197, %add3A_198 : i32
          %swap3A_200 = arith.index_cast %add3A_199 : i32 to index
          %swap3A_201 = tpu.vector_load %arg15[%swap3A_200] {strides = array<i32>} : memref<1184xf32, #tpu.memory_space<vmem>>, vector<16xf32>,
          %swap3A_202 = vector.shape_cast %swap3A_201 : vector<16xf32> to vector<16xf32>
          %swap3A_203 = vector.shape_cast %get3A_193 : vector<16xf32> to vector<16xf32>
          tpu.vector_store %arg15[%swap3A_200], %swap3A_203 {strides = array<i32>} : memref<1184xf32, #tpu.memory_space<vmem>>, vector<16xf32>,
          %get3A_204 = arith.constant 0 : i32
          %get3A_205 = arith.index_cast %scan3A_108 : i32 to index
          %get3A_206 = arith.index_cast %get3A_204 : i32 to index
          %get3A_207 = arith.constant 48 : index
          %get3A_208 = tpu.vector_load %arg9[%get3A_205, %get3A_206, %get3A_207] {strides = array<i32>} : memref<9x4x128xf32, #tpu.memory_space<vmem>>, vector<1x1x16xf32>,
          %get3A_209 = vector.shape_cast %get3A_208 : vector<1x1x16xf32> to vector<16xf32>
          %mul3A_210 = arith.constant 128 : i32
          %mul3A_211 = arith.muli %scan3A_108, %mul3A_210 : i32
          %add3A_212 = arith.constant 16 : i32
          %add3A_213 = arith.addi %add3A_212, %mul3A_211 : i32
          %add3A_214 = arith.constant 48 : i32
          %add3A_215 = arith.addi %add3A_213, %add3A_214 : i32
          %swap3A_216 = arith.index_cast %add3A_215 : i32 to index
          %swap3A_217 = tpu.vector_load %arg11[%swap3A_216] {strides = array<i32>} : memref<1184xf32, #tpu.memory_space<vmem>>, vector<16xf32>,
          %swap3A_218 = vector.shape_cast %swap3A_217 : vector<16xf32> to vector<16xf32>
          %swap3A_219 = vector.shape_cast %get3A_209 : vector<16xf32> to vector<16xf32>
          tpu.vector_store %arg11[%swap3A_216], %swap3A_219 {strides = array<i32>} : memref<1184xf32, #tpu.memory_space<vmem>>, vector<16xf32>,
          %get3A_220 = arith.constant 0 : i32
          %get3A_221 = arith.index_cast %scan3A_108 : i32 to index
          %get3A_222 = arith.index_cast %get3A_220 : i32 to index
          %get3A_223 = arith.constant 48 : index
          %get3A_224 = tpu.vector_load %arg10[%get3A_221, %get3A_222, %get3A_223] {strides = array<i32>} : memref<9x4x128xf32, #tpu.memory_space<vmem>>, vector<1x1x16xf32>,
          %get3A_225 = vector.shape_cast %get3A_224 : vector<1x1x16xf32> to vector<16xf32>
          %mul3A_226 = arith.constant 128 : i32
          %mul3A_227 = arith.muli %scan3A_108, %mul3A_226 : i32
          %add3A_228 = arith.constant 16 : i32
          %add3A_229 = arith.addi %add3A_228, %mul3A_227 : i32
          %add3A_230 = arith.constant 48 : i32
          %add3A_231 = arith.addi %add3A_229, %add3A_230 : i32
          %swap3A_232 = arith.index_cast %add3A_231 : i32 to index
          %swap3A_233 = tpu.vector_load %arg15[%swap3A_232] {strides = array<i32>} : memref<1184xf32, #tpu.memory_space<vmem>>, vector<16xf32>,
          %swap3A_234 = vector.shape_cast %swap3A_233 : vector<16xf32> to vector<16xf32>
          %swap3A_235 = vector.shape_cast %get3A_225 : vector<16xf32> to vector<16xf32>
          tpu.vector_store %arg15[%swap3A_232], %swap3A_235 {strides = array<i32>} : memref<1184xf32, #tpu.memory_space<vmem>>, vector<16xf32>,
          %get3A_236 = arith.constant 0 : i32
          %get3A_237 = arith.index_cast %scan3A_108 : i32 to index
          %get3A_238 = arith.index_cast %get3A_236 : i32 to index
          %get3A_239 = arith.constant 64 : index
          %get3A_240 = tpu.vector_load %arg9[%get3A_237, %get3A_238, %get3A_239] {strides = array<i32>} : memref<9x4x128xf32, #tpu.memory_space<vmem>>, vector<1x1x16xf32>,
          %get3A_241 = vector.shape_cast %get3A_240 : vector<1x1x16xf32> to vector<16xf32>
          %mul3A_242 = arith.constant 128 : i32
          %mul3A_243 = arith.muli %scan3A_108, %mul3A_242 : i32
          %add3A_244 = arith.constant 16 : i32
          %add3A_245 = arith.addi %add3A_244, %mul3A_243 : i32
          %add3A_246 = arith.constant 64 : i32
          %add3A_247 = arith.addi %add3A_245, %add3A_246 : i32
          %swap3A_248 = arith.index_cast %add3A_247 : i32 to index
          %swap3A_249 = tpu.vector_load %arg11[%swap3A_248] {strides = array<i32>} : memref<1184xf32, #tpu.memory_space<vmem>>, vector<16xf32>,
          %swap3A_250 = vector.shape_cast %swap3A_249 : vector<16xf32> to vector<16xf32>
          %swap3A_251 = vector.shape_cast %get3A_241 : vector<16xf32> to vector<16xf32>
          tpu.vector_store %arg11[%swap3A_248], %swap3A_251 {strides = array<i32>} : memref<1184xf32, #tpu.memory_space<vmem>>, vector<16xf32>,
          %get3A_252 = arith.constant 0 : i32
          %get3A_253 = arith.index_cast %scan3A_108 : i32 to index
          %get3A_254 = arith.index_cast %get3A_252 : i32 to index
          %get3A_255 = arith.constant 64 : index
          %get3A_256 = tpu.vector_load %arg10[%get3A_253, %get3A_254, %get3A_255] {strides = array<i32>} : memref<9x4x128xf32, #tpu.memory_space<vmem>>, vector<1x1x16xf32>,
          %get3A_257 = vector.shape_cast %get3A_256 : vector<1x1x16xf32> to vector<16xf32>
          %mul3A_258 = arith.constant 128 : i32
          %mul3A_259 = arith.muli %scan3A_108, %mul3A_258 : i32
          %add3A_260 = arith.constant 16 : i32
          %add3A_261 = arith.addi %add3A_260, %mul3A_259 : i32
          %add3A_262 = arith.constant 64 : i32
          %add3A_263 = arith.addi %add3A_261, %add3A_262 : i32
          %swap3A_264 = arith.index_cast %add3A_263 : i32 to index
          %swap3A_265 = tpu.vector_load %arg15[%swap3A_264] {strides = array<i32>} : memref<1184xf32, #tpu.memory_space<vmem>>, vector<16xf32>,
          %swap3A_266 = vector.shape_cast %swap3A_265 : vector<16xf32> to vector<16xf32>
          %swap3A_267 = vector.shape_cast %get3A_257 : vector<16xf32> to vector<16xf32>
          tpu.vector_store %arg15[%swap3A_264], %swap3A_267 {strides = array<i32>} : memref<1184xf32, #tpu.memory_space<vmem>>, vector<16xf32>,
          %get3A_268 = arith.constant 0 : i32
          %get3A_269 = arith.index_cast %scan3A_108 : i32 to index
          %get3A_270 = arith.index_cast %get3A_268 : i32 to index
          %get3A_271 = arith.constant 80 : index
          %get3A_272 = tpu.vector_load %arg9[%get3A_269, %get3A_270, %get3A_271] {strides = array<i32>} : memref<9x4x128xf32, #tpu.memory_space<vmem>>, vector<1x1x16xf32>,
          %get3A_273 = vector.shape_cast %get3A_272 : vector<1x1x16xf32> to vector<16xf32>
          %mul3A_274 = arith.constant 128 : i32
          %mul3A_275 = arith.muli %scan3A_108, %mul3A_274 : i32
          %add3A_276 = arith.constant 16 : i32
          %add3A_277 = arith.addi %add3A_276, %mul3A_275 : i32
          %add3A_278 = arith.constant 80 : i32
          %add3A_279 = arith.addi %add3A_277, %add3A_278 : i32
          %swap3A_280 = arith.index_cast %add3A_279 : i32 to index
          %swap3A_281 = tpu.vector_load %arg11[%swap3A_280] {strides = array<i32>} : memref<1184xf32, #tpu.memory_space<vmem>>, vector<16xf32>,
          %swap3A_282 = vector.shape_cast %swap3A_281 : vector<16xf32> to vector<16xf32>
          %swap3A_283 = vector.shape_cast %get3A_273 : vector<16xf32> to vector<16xf32>
          tpu.vector_store %arg11[%swap3A_280], %swap3A_283 {strides = array<i32>} : memref<1184xf32, #tpu.memory_space<vmem>>, vector<16xf32>,
          %get3A_284 = arith.constant 0 : i32
          %get3A_285 = arith.index_cast %scan3A_108 : i32 to index
          %get3A_286 = arith.index_cast %get3A_284 : i32 to index
          %get3A_287 = arith.constant 80 : index
          %get3A_288 = tpu.vector_load %arg10[%get3A_285, %get3A_286, %get3A_287] {strides = array<i32>} : memref<9x4x128xf32, #tpu.memory_space<vmem>>, vector<1x1x16xf32>,
          %get3A_289 = vector.shape_cast %get3A_288 : vector<1x1x16xf32> to vector<16xf32>
          %mul3A_290 = arith.constant 128 : i32
          %mul3A_291 = arith.muli %scan3A_108, %mul3A_290 : i32
          %add3A_292 = arith.constant 16 : i32
          %add3A_293 = arith.addi %add3A_292, %mul3A_291 : i32
          %add3A_294 = arith.constant 80 : i32
          %add3A_295 = arith.addi %add3A_293, %add3A_294 : i32
          %swap3A_296 = arith.index_cast %add3A_295 : i32 to index
          %swap3A_297 = tpu.vector_load %arg15[%swap3A_296] {strides = array<i32>} : memref<1184xf32, #tpu.memory_space<vmem>>, vector<16xf32>,
          %swap3A_298 = vector.shape_cast %swap3A_297 : vector<16xf32> to vector<16xf32>
          %swap3A_299 = vector.shape_cast %get3A_289 : vector<16xf32> to vector<16xf32>
          tpu.vector_store %arg15[%swap3A_296], %swap3A_299 {strides = array<i32>} : memref<1184xf32, #tpu.memory_space<vmem>>, vector<16xf32>,
          %get3A_300 = arith.constant 0 : i32
          %get3A_301 = arith.index_cast %scan3A_108 : i32 to index
          %get3A_302 = arith.index_cast %get3A_300 : i32 to index
          %get3A_303 = arith.constant 96 : index
          %get3A_304 = tpu.vector_load %arg9[%get3A_301, %get3A_302, %get3A_303] {strides = array<i32>} : memref<9x4x128xf32, #tpu.memory_space<vmem>>, vector<1x1x16xf32>,
          %get3A_305 = vector.shape_cast %get3A_304 : vector<1x1x16xf32> to vector<16xf32>
          %mul3A_306 = arith.constant 128 : i32
          %mul3A_307 = arith.muli %scan3A_108, %mul3A_306 : i32
          %add3A_308 = arith.constant 16 : i32
          %add3A_309 = arith.addi %add3A_308, %mul3A_307 : i32
          %add3A_310 = arith.constant 96 : i32
          %add3A_311 = arith.addi %add3A_309, %add3A_310 : i32
          %swap3A_312 = arith.index_cast %add3A_311 : i32 to index
          %swap3A_313 = tpu.vector_load %arg11[%swap3A_312] {strides = array<i32>} : memref<1184xf32, #tpu.memory_space<vmem>>, vector<16xf32>,
          %swap3A_314 = vector.shape_cast %swap3A_313 : vector<16xf32> to vector<16xf32>
          %swap3A_315 = vector.shape_cast %get3A_305 : vector<16xf32> to vector<16xf32>
          tpu.vector_store %arg11[%swap3A_312], %swap3A_315 {strides = array<i32>} : memref<1184xf32, #tpu.memory_space<vmem>>, vector<16xf32>,
          %get3A_316 = arith.constant 0 : i32
          %get3A_317 = arith.index_cast %scan3A_108 : i32 to index
          %get3A_318 = arith.index_cast %get3A_316 : i32 to index
          %get3A_319 = arith.constant 96 : index
          %get3A_320 = tpu.vector_load %arg10[%get3A_317, %get3A_318, %get3A_319] {strides = array<i32>} : memref<9x4x128xf32, #tpu.memory_space<vmem>>, vector<1x1x16xf32>,
          %get3A_321 = vector.shape_cast %get3A_320 : vector<1x1x16xf32> to vector<16xf32>
          %mul3A_322 = arith.constant 128 : i32
          %mul3A_323 = arith.muli %scan3A_108, %mul3A_322 : i32
          %add3A_324 = arith.constant 16 : i32
          %add3A_325 = arith.addi %add3A_324, %mul3A_323 : i32
          %add3A_326 = arith.constant 96 : i32
          %add3A_327 = arith.addi %add3A_325, %add3A_326 : i32
          %swap3A_328 = arith.index_cast %add3A_327 : i32 to index
          %swap3A_329 = tpu.vector_load %arg15[%swap3A_328] {strides = array<i32>} : memref<1184xf32, #tpu.memory_space<vmem>>, vector<16xf32>,
          %swap3A_330 = vector.shape_cast %swap3A_329 : vector<16xf32> to vector<16xf32>
          %swap3A_331 = vector.shape_cast %get3A_321 : vector<16xf32> to vector<16xf32>
          tpu.vector_store %arg15[%swap3A_328], %swap3A_331 {strides = array<i32>} : memref<1184xf32, #tpu.memory_space<vmem>>, vector<16xf32>,
          %get3A_332 = arith.constant 0 : i32
          %get3A_333 = arith.index_cast %scan3A_108 : i32 to index
          %get3A_334 = arith.index_cast %get3A_332 : i32 to index
          %get3A_335 = arith.constant 112 : index
          %get3A_336 = tpu.vector_load %arg9[%get3A_333, %get3A_334, %get3A_335] {strides = array<i32>} : memref<9x4x128xf32, #tpu.memory_space<vmem>>, vector<1x1x16xf32>,
          %get3A_337 = vector.shape_cast %get3A_336 : vector<1x1x16xf32> to vector<16xf32>
          %mul3A_338 = arith.constant 128 : i32
          %mul3A_339 = arith.muli %scan3A_108, %mul3A_338 : i32
          %add3A_340 = arith.constant 16 : i32
          %add3A_341 = arith.addi %add3A_340, %mul3A_339 : i32
          %add3A_342 = arith.constant 112 : i32
          %add3A_343 = arith.addi %add3A_341, %add3A_342 : i32
          %swap3A_344 = arith.index_cast %add3A_343 : i32 to index
          %swap3A_345 = tpu.vector_load %arg11[%swap3A_344] {strides = array<i32>} : memref<1184xf32, #tpu.memory_space<vmem>>, vector<16xf32>,
          %swap3A_346 = vector.shape_cast %swap3A_345 : vector<16xf32> to vector<16xf32>
          %swap3A_347 = vector.shape_cast %get3A_337 : vector<16xf32> to vector<16xf32>
          tpu.vector_store %arg11[%swap3A_344], %swap3A_347 {strides = array<i32>} : memref<1184xf32, #tpu.memory_space<vmem>>, vector<16xf32>,
          %get3A_348 = arith.constant 0 : i32
          %get3A_349 = arith.index_cast %scan3A_108 : i32 to index
          %get3A_350 = arith.index_cast %get3A_348 : i32 to index
          %get3A_351 = arith.constant 112 : index
          %get3A_352 = tpu.vector_load %arg10[%get3A_349, %get3A_350, %get3A_351] {strides = array<i32>} : memref<9x4x128xf32, #tpu.memory_space<vmem>>, vector<1x1x16xf32>,
          %get3A_353 = vector.shape_cast %get3A_352 : vector<1x1x16xf32> to vector<16xf32>
          %mul3A_354 = arith.constant 128 : i32
          %mul3A_355 = arith.muli %scan3A_108, %mul3A_354 : i32
          %add3A_356 = arith.constant 16 : i32
          %add3A_357 = arith.addi %add3A_356, %mul3A_355 : i32
          %add3A_358 = arith.constant 112 : i32
          %add3A_359 = arith.addi %add3A_357, %add3A_358 : i32
          %swap3A_360 = arith.index_cast %add3A_359 : i32 to index
          %swap3A_361 = tpu.vector_load %arg15[%swap3A_360] {strides = array<i32>} : memref<1184xf32, #tpu.memory_space<vmem>>, vector<16xf32>,
          %swap3A_362 = vector.shape_cast %swap3A_361 : vector<16xf32> to vector<16xf32>
          %swap3A_363 = vector.shape_cast %get3A_353 : vector<16xf32> to vector<16xf32>
          tpu.vector_store %arg15[%swap3A_360], %swap3A_363 {strides = array<i32>} : memref<1184xf32, #tpu.memory_space<vmem>>, vector<16xf32>,
          %get3A_364 = arith.constant 1 : i32
          %get3A_365 = arith.index_cast %scan3A_108 : i32 to index
          %get3A_366 = arith.index_cast %get3A_364 : i32 to index
          %get3A_367 = arith.constant 0 : index
          %get3A_368 = tpu.vector_load %arg9[%get3A_365, %get3A_366, %get3A_367] {strides = array<i32>} : memref<9x4x128xf32, #tpu.memory_space<vmem>>, vector<1x1x16xf32>,
          %get3A_369 = vector.shape_cast %get3A_368 : vector<1x1x16xf32> to vector<16xf32>
          %mul3A_370 = arith.constant 128 : i32
          %mul3A_371 = arith.muli %scan3A_108, %mul3A_370 : i32
          %add3A_372 = arith.constant 16 : i32
          %add3A_373 = arith.addi %add3A_372, %mul3A_371 : i32
          %add3A_374 = arith.constant 0 : i32
          %add3A_375 = arith.addi %add3A_373, %add3A_374 : i32
          %swap3A_376 = arith.index_cast %add3A_375 : i32 to index
          %swap3A_377 = tpu.vector_load %arg12[%swap3A_376] {strides = array<i32>} : memref<1184xf32, #tpu.memory_space<vmem>>, vector<16xf32>,
          %swap3A_378 = vector.shape_cast %swap3A_377 : vector<16xf32> to vector<16xf32>
          %swap3A_379 = vector.shape_cast %get3A_369 : vector<16xf32> to vector<16xf32>
          tpu.vector_store %arg12[%swap3A_376], %swap3A_379 {strides = array<i32>} : memref<1184xf32, #tpu.memory_space<vmem>>, vector<16xf32>,
          %get3A_380 = arith.constant 1 : i32
          %get3A_381 = arith.index_cast %scan3A_108 : i32 to index
          %get3A_382 = arith.index_cast %get3A_380 : i32 to index
          %get3A_383 = arith.constant 0 : index
          %get3A_384 = tpu.vector_load %arg10[%get3A_381, %get3A_382, %get3A_383] {strides = array<i32>} : memref<9x4x128xf32, #tpu.memory_space<vmem>>, vector<1x1x16xf32>,
          %get3A_385 = vector.shape_cast %get3A_384 : vector<1x1x16xf32> to vector<16xf32>
          %mul3A_386 = arith.constant 128 : i32
          %mul3A_387 = arith.muli %scan3A_108, %mul3A_386 : i32
          %add3A_388 = arith.constant 16 : i32
          %add3A_389 = arith.addi %add3A_388, %mul3A_387 : i32
          %add3A_390 = arith.constant 0 : i32
          %add3A_391 = arith.addi %add3A_389, %add3A_390 : i32
          %swap3A_392 = arith.index_cast %add3A_391 : i32 to index
          %swap3A_393 = tpu.vector_load %arg16[%swap3A_392] {strides = array<i32>} : memref<1184xf32, #tpu.memory_space<vmem>>, vector<16xf32>,
          %swap3A_394 = vector.shape_cast %swap3A_393 : vector<16xf32> to vector<16xf32>
          %swap3A_395 = vector.shape_cast %get3A_385 : vector<16xf32> to vector<16xf32>
          tpu.vector_store %arg16[%swap3A_392], %swap3A_395 {strides = array<i32>} : memref<1184xf32, #tpu.memory_space<vmem>>, vector<16xf32>,
          %get3A_396 = arith.constant 1 : i32
          %get3A_397 = arith.index_cast %scan3A_108 : i32 to index
          %get3A_398 = arith.index_cast %get3A_396 : i32 to index
          %get3A_399 = arith.constant 16 : index
          %get3A_400 = tpu.vector_load %arg9[%get3A_397, %get3A_398, %get3A_399] {strides = array<i32>} : memref<9x4x128xf32, #tpu.memory_space<vmem>>, vector<1x1x16xf32>,
          %get3A_401 = vector.shape_cast %get3A_400 : vector<1x1x16xf32> to vector<16xf32>
          %mul3A_402 = arith.constant 128 : i32
          %mul3A_403 = arith.muli %scan3A_108, %mul3A_402 : i32
          %add3A_404 = arith.constant 16 : i32
          %add3A_405 = arith.addi %add3A_404, %mul3A_403 : i32
          %add3A_406 = arith.constant 16 : i32
          %add3A_407 = arith.addi %add3A_405, %add3A_406 : i32
          %swap3A_408 = arith.index_cast %add3A_407 : i32 to index
          %swap3A_409 = tpu.vector_load %arg12[%swap3A_408] {strides = array<i32>} : memref<1184xf32, #tpu.memory_space<vmem>>, vector<16xf32>,
          %swap3A_410 = vector.shape_cast %swap3A_409 : vector<16xf32> to vector<16xf32>
          %swap3A_411 = vector.shape_cast %get3A_401 : vector<16xf32> to vector<16xf32>
          tpu.vector_store %arg12[%swap3A_408], %swap3A_411 {strides = array<i32>} : memref<1184xf32, #tpu.memory_space<vmem>>, vector<16xf32>,
          %get3A_412 = arith.constant 1 : i32
          %get3A_413 = arith.index_cast %scan3A_108 : i32 to index
          %get3A_414 = arith.index_cast %get3A_412 : i32 to index
          %get3A_415 = arith.constant 16 : index
          %get3A_416 = tpu.vector_load %arg10[%get3A_413, %get3A_414, %get3A_415] {strides = array<i32>} : memref<9x4x128xf32, #tpu.memory_space<vmem>>, vector<1x1x16xf32>,
          %get3A_417 = vector.shape_cast %get3A_416 : vector<1x1x16xf32> to vector<16xf32>
          %mul3A_418 = arith.constant 128 : i32
          %mul3A_419 = arith.muli %scan3A_108, %mul3A_418 : i32
          %add3A_420 = arith.constant 16 : i32
          %add3A_421 = arith.addi %add3A_420, %mul3A_419 : i32
          %add3A_422 = arith.constant 16 : i32
          %add3A_423 = arith.addi %add3A_421, %add3A_422 : i32
          %swap3A_424 = arith.index_cast %add3A_423 : i32 to index
          %swap3A_425 = tpu.vector_load %arg16[%swap3A_424] {strides = array<i32>} : memref<1184xf32, #tpu.memory_space<vmem>>, vector<16xf32>,
          %swap3A_426 = vector.shape_cast %swap3A_425 : vector<16xf32> to vector<16xf32>
          %swap3A_427 = vector.shape_cast %get3A_417 : vector<16xf32> to vector<16xf32>
          tpu.vector_store %arg16[%swap3A_424], %swap3A_427 {strides = array<i32>} : memref<1184xf32, #tpu.memory_space<vmem>>, vector<16xf32>,
          %get3A_428 = arith.constant 1 : i32
          %get3A_429 = arith.index_cast %scan3A_108 : i32 to index
          %get3A_430 = arith.index_cast %get3A_428 : i32 to index
          %get3A_431 = arith.constant 32 : index
          %get3A_432 = tpu.vector_load %arg9[%get3A_429, %get3A_430, %get3A_431] {strides = array<i32>} : memref<9x4x128xf32, #tpu.memory_space<vmem>>, vector<1x1x16xf32>,
          %get3A_433 = vector.shape_cast %get3A_432 : vector<1x1x16xf32> to vector<16xf32>
          %mul3A_434 = arith.constant 128 : i32
          %mul3A_435 = arith.muli %scan3A_108, %mul3A_434 : i32
          %add3A_436 = arith.constant 16 : i32
          %add3A_437 = arith.addi %add3A_436, %mul3A_435 : i32
          %add3A_438 = arith.constant 32 : i32
          %add3A_439 = arith.addi %add3A_437, %add3A_438 : i32
          %swap3A_440 = arith.index_cast %add3A_439 : i32 to index
          %swap3A_441 = tpu.vector_load %arg12[%swap3A_440] {strides = array<i32>} : memref<1184xf32, #tpu.memory_space<vmem>>, vector<16xf32>,
          %swap3A_442 = vector.shape_cast %swap3A_441 : vector<16xf32> to vector<16xf32>
          %swap3A_443 = vector.shape_cast %get3A_433 : vector<16xf32> to vector<16xf32>
          tpu.vector_store %arg12[%swap3A_440], %swap3A_443 {strides = array<i32>} : memref<1184xf32, #tpu.memory_space<vmem>>, vector<16xf32>,
          %get3A_444 = arith.constant 1 : i32
          %get3A_445 = arith.index_cast %scan3A_108 : i32 to index
          %get3A_446 = arith.index_cast %get3A_444 : i32 to index
          %get3A_447 = arith.constant 32 : index
          %get3A_448 = tpu.vector_load %arg10[%get3A_445, %get3A_446, %get3A_447] {strides = array<i32>} : memref<9x4x128xf32, #tpu.memory_space<vmem>>, vector<1x1x16xf32>,
          %get3A_449 = vector.shape_cast %get3A_448 : vector<1x1x16xf32> to vector<16xf32>
          %mul3A_450 = arith.constant 128 : i32
          %mul3A_451 = arith.muli %scan3A_108, %mul3A_450 : i32
          %add3A_452 = arith.constant 16 : i32
          %add3A_453 = arith.addi %add3A_452, %mul3A_451 : i32
          %add3A_454 = arith.constant 32 : i32
          %add3A_455 = arith.addi %add3A_453, %add3A_454 : i32
          %swap3A_456 = arith.index_cast %add3A_455 : i32 to index
          %swap3A_457 = tpu.vector_load %arg16[%swap3A_456] {strides = array<i32>} : memref<1184xf32, #tpu.memory_space<vmem>>, vector<16xf32>,
          %swap3A_458 = vector.shape_cast %swap3A_457 : vector<16xf32> to vector<16xf32>
          %swap3A_459 = vector.shape_cast %get3A_449 : vector<16xf32> to vector<16xf32>
          tpu.vector_store %arg16[%swap3A_456], %swap3A_459 {strides = array<i32>} : memref<1184xf32, #tpu.memory_space<vmem>>, vector<16xf32>,
          %get3A_460 = arith.constant 1 : i32
          %get3A_461 = arith.index_cast %scan3A_108 : i32 to index
          %get3A_462 = arith.index_cast %get3A_460 : i32 to index
          %get3A_463 = arith.constant 48 : index
          %get3A_464 = tpu.vector_load %arg9[%get3A_461, %get3A_462, %get3A_463] {strides = array<i32>} : memref<9x4x128xf32, #tpu.memory_space<vmem>>, vector<1x1x16xf32>,
          %get3A_465 = vector.shape_cast %get3A_464 : vector<1x1x16xf32> to vector<16xf32>
          %mul3A_466 = arith.constant 128 : i32
          %mul3A_467 = arith.muli %scan3A_108, %mul3A_466 : i32
          %add3A_468 = arith.constant 16 : i32
          %add3A_469 = arith.addi %add3A_468, %mul3A_467 : i32
          %add3A_470 = arith.constant 48 : i32
          %add3A_471 = arith.addi %add3A_469, %add3A_470 : i32
          %swap3A_472 = arith.index_cast %add3A_471 : i32 to index
          %swap3A_473 = tpu.vector_load %arg12[%swap3A_472] {strides = array<i32>} : memref<1184xf32, #tpu.memory_space<vmem>>, vector<16xf32>,
          %swap3A_474 = vector.shape_cast %swap3A_473 : vector<16xf32> to vector<16xf32>
          %swap3A_475 = vector.shape_cast %get3A_465 : vector<16xf32> to vector<16xf32>
          tpu.vector_store %arg12[%swap3A_472], %swap3A_475 {strides = array<i32>} : memref<1184xf32, #tpu.memory_space<vmem>>, vector<16xf32>,
          %get3A_476 = arith.constant 1 : i32
          %get3A_477 = arith.index_cast %scan3A_108 : i32 to index
          %get3A_478 = arith.index_cast %get3A_476 : i32 to index
          %get3A_479 = arith.constant 48 : index
          %get3A_480 = tpu.vector_load %arg10[%get3A_477, %get3A_478, %get3A_479] {strides = array<i32>} : memref<9x4x128xf32, #tpu.memory_space<vmem>>, vector<1x1x16xf32>,
          %get3A_481 = vector.shape_cast %get3A_480 : vector<1x1x16xf32> to vector<16xf32>
          %mul3A_482 = arith.constant 128 : i32
          %mul3A_483 = arith.muli %scan3A_108, %mul3A_482 : i32
          %add3A_484 = arith.constant 16 : i32
          %add3A_485 = arith.addi %add3A_484, %mul3A_483 : i32
          %add3A_486 = arith.constant 48 : i32
          %add3A_487 = arith.addi %add3A_485, %add3A_486 : i32
          %swap3A_488 = arith.index_cast %add3A_487 : i32 to index
          %swap3A_489 = tpu.vector_load %arg16[%swap3A_488] {strides = array<i32>} : memref<1184xf32, #tpu.memory_space<vmem>>, vector<16xf32>,
          %swap3A_490 = vector.shape_cast %swap3A_489 : vector<16xf32> to vector<16xf32>
          %swap3A_491 = vector.shape_cast %get3A_481 : vector<16xf32> to vector<16xf32>
          tpu.vector_store %arg16[%swap3A_488], %swap3A_491 {strides = array<i32>} : memref<1184xf32, #tpu.memory_space<vmem>>, vector<16xf32>,
          %get3A_492 = arith.constant 1 : i32
          %get3A_493 = arith.index_cast %scan3A_108 : i32 to index
          %get3A_494 = arith.index_cast %get3A_492 : i32 to index
          %get3A_495 = arith.constant 64 : index
          %get3A_496 = tpu.vector_load %arg9[%get3A_493, %get3A_494, %get3A_495] {strides = array<i32>} : memref<9x4x128xf32, #tpu.memory_space<vmem>>, vector<1x1x16xf32>,
          %get3A_497 = vector.shape_cast %get3A_496 : vector<1x1x16xf32> to vector<16xf32>
          %mul3A_498 = arith.constant 128 : i32
          %mul3A_499 = arith.muli %scan3A_108, %mul3A_498 : i32
          %add3A_500 = arith.constant 16 : i32
          %add3A_501 = arith.addi %add3A_500, %mul3A_499 : i32
          %add3A_502 = arith.constant 64 : i32
          %add3A_503 = arith.addi %add3A_501, %add3A_502 : i32
          %swap3A_504 = arith.index_cast %add3A_503 : i32 to index
          %swap3A_505 = tpu.vector_load %arg12[%swap3A_504] {strides = array<i32>} : memref<1184xf32, #tpu.memory_space<vmem>>, vector<16xf32>,
          %swap3A_506 = vector.shape_cast %swap3A_505 : vector<16xf32> to vector<16xf32>
          %swap3A_507 = vector.shape_cast %get3A_497 : vector<16xf32> to vector<16xf32>
          tpu.vector_store %arg12[%swap3A_504], %swap3A_507 {strides = array<i32>} : memref<1184xf32, #tpu.memory_space<vmem>>, vector<16xf32>,
          %get3A_508 = arith.constant 1 : i32
          %get3A_509 = arith.index_cast %scan3A_108 : i32 to index
          %get3A_510 = arith.index_cast %get3A_508 : i32 to index
          %get3A_511 = arith.constant 64 : index
          %get3A_512 = tpu.vector_load %arg10[%get3A_509, %get3A_510, %get3A_511] {strides = array<i32>} : memref<9x4x128xf32, #tpu.memory_space<vmem>>, vector<1x1x16xf32>,
          %get3A_513 = vector.shape_cast %get3A_512 : vector<1x1x16xf32> to vector<16xf32>
          %mul3A_514 = arith.constant 128 : i32
          %mul3A_515 = arith.muli %scan3A_108, %mul3A_514 : i32
          %add3A_516 = arith.constant 16 : i32
          %add3A_517 = arith.addi %add3A_516, %mul3A_515 : i32
          %add3A_518 = arith.constant 64 : i32
          %add3A_519 = arith.addi %add3A_517, %add3A_518 : i32
          %swap3A_520 = arith.index_cast %add3A_519 : i32 to index
          %swap3A_521 = tpu.vector_load %arg16[%swap3A_520] {strides = array<i32>} : memref<1184xf32, #tpu.memory_space<vmem>>, vector<16xf32>,
          %swap3A_522 = vector.shape_cast %swap3A_521 : vector<16xf32> to vector<16xf32>
          %swap3A_523 = vector.shape_cast %get3A_513 : vector<16xf32> to vector<16xf32>
          tpu.vector_store %arg16[%swap3A_520], %swap3A_523 {strides = array<i32>} : memref<1184xf32, #tpu.memory_space<vmem>>, vector<16xf32>,
          %get3A_524 = arith.constant 1 : i32
          %get3A_525 = arith.index_cast %scan3A_108 : i32 to index
          %get3A_526 = arith.index_cast %get3A_524 : i32 to index
          %get3A_527 = arith.constant 80 : index
          %get3A_528 = tpu.vector_load %arg9[%get3A_525, %get3A_526, %get3A_527] {strides = array<i32>} : memref<9x4x128xf32, #tpu.memory_space<vmem>>, vector<1x1x16xf32>,
          %get3A_529 = vector.shape_cast %get3A_528 : vector<1x1x16xf32> to vector<16xf32>
          %mul3A_530 = arith.constant 128 : i32
          %mul3A_531 = arith.muli %scan3A_108, %mul3A_530 : i32
          %add3A_532 = arith.constant 16 : i32
          %add3A_533 = arith.addi %add3A_532, %mul3A_531 : i32
          %add3A_534 = arith.constant 80 : i32
          %add3A_535 = arith.addi %add3A_533, %add3A_534 : i32
          %swap3A_536 = arith.index_cast %add3A_535 : i32 to index
          %swap3A_537 = tpu.vector_load %arg12[%swap3A_536] {strides = array<i32>} : memref<1184xf32, #tpu.memory_space<vmem>>, vector<16xf32>,
          %swap3A_538 = vector.shape_cast %swap3A_537 : vector<16xf32> to vector<16xf32>
          %swap3A_539 = vector.shape_cast %get3A_529 : vector<16xf32> to vector<16xf32>
          tpu.vector_store %arg12[%swap3A_536], %swap3A_539 {strides = array<i32>} : memref<1184xf32, #tpu.memory_space<vmem>>, vector<16xf32>,
          %get3A_540 = arith.constant 1 : i32
          %get3A_541 = arith.index_cast %scan3A_108 : i32 to index
          %get3A_542 = arith.index_cast %get3A_540 : i32 to index
          %get3A_543 = arith.constant 80 : index
          %get3A_544 = tpu.vector_load %arg10[%get3A_541, %get3A_542, %get3A_543] {strides = array<i32>} : memref<9x4x128xf32, #tpu.memory_space<vmem>>, vector<1x1x16xf32>,
          %get3A_545 = vector.shape_cast %get3A_544 : vector<1x1x16xf32> to vector<16xf32>
          %mul3A_546 = arith.constant 128 : i32
          %mul3A_547 = arith.muli %scan3A_108, %mul3A_546 : i32
          %add3A_548 = arith.constant 16 : i32
          %add3A_549 = arith.addi %add3A_548, %mul3A_547 : i32
          %add3A_550 = arith.constant 80 : i32
          %add3A_551 = arith.addi %add3A_549, %add3A_550 : i32
          %swap3A_552 = arith.index_cast %add3A_551 : i32 to index
          %swap3A_553 = tpu.vector_load %arg16[%swap3A_552] {strides = array<i32>} : memref<1184xf32, #tpu.memory_space<vmem>>, vector<16xf32>,
          %swap3A_554 = vector.shape_cast %swap3A_553 : vector<16xf32> to vector<16xf32>
          %swap3A_555 = vector.shape_cast %get3A_545 : vector<16xf32> to vector<16xf32>
          tpu.vector_store %arg16[%swap3A_552], %swap3A_555 {strides = array<i32>} : memref<1184xf32, #tpu.memory_space<vmem>>, vector<16xf32>,
          %get3A_556 = arith.constant 1 : i32
          %get3A_557 = arith.index_cast %scan3A_108 : i32 to index
          %get3A_558 = arith.index_cast %get3A_556 : i32 to index
          %get3A_559 = arith.constant 96 : index
          %get3A_560 = tpu.vector_load %arg9[%get3A_557, %get3A_558, %get3A_559] {strides = array<i32>} : memref<9x4x128xf32, #tpu.memory_space<vmem>>, vector<1x1x16xf32>,
          %get3A_561 = vector.shape_cast %get3A_560 : vector<1x1x16xf32> to vector<16xf32>
          %mul3A_562 = arith.constant 128 : i32
          %mul3A_563 = arith.muli %scan3A_108, %mul3A_562 : i32
          %add3A_564 = arith.constant 16 : i32
          %add3A_565 = arith.addi %add3A_564, %mul3A_563 : i32
          %add3A_566 = arith.constant 96 : i32
          %add3A_567 = arith.addi %add3A_565, %add3A_566 : i32
          %swap3A_568 = arith.index_cast %add3A_567 : i32 to index
          %swap3A_569 = tpu.vector_load %arg12[%swap3A_568] {strides = array<i32>} : memref<1184xf32, #tpu.memory_space<vmem>>, vector<16xf32>,
          %swap3A_570 = vector.shape_cast %swap3A_569 : vector<16xf32> to vector<16xf32>
          %swap3A_571 = vector.shape_cast %get3A_561 : vector<16xf32> to vector<16xf32>
          tpu.vector_store %arg12[%swap3A_568], %swap3A_571 {strides = array<i32>} : memref<1184xf32, #tpu.memory_space<vmem>>, vector<16xf32>,
          %get3A_572 = arith.constant 1 : i32
          %get3A_573 = arith.index_cast %scan3A_108 : i32 to index
          %get3A_574 = arith.index_cast %get3A_572 : i32 to index
          %get3A_575 = arith.constant 96 : index
          %get3A_576 = tpu.vector_load %arg10[%get3A_573, %get3A_574, %get3A_575] {strides = array<i32>} : memref<9x4x128xf32, #tpu.memory_space<vmem>>, vector<1x1x16xf32>,
          %get3A_577 = vector.shape_cast %get3A_576 : vector<1x1x16xf32> to vector<16xf32>
          %mul3A_578 = arith.constant 128 : i32
          %mul3A_579 = arith.muli %scan3A_108, %mul3A_578 : i32
          %add3A_580 = arith.constant 16 : i32
          %add3A_581 = arith.addi %add3A_580, %mul3A_579 : i32
          %add3A_582 = arith.constant 96 : i32
          %add3A_583 = arith.addi %add3A_581, %add3A_582 : i32
          %swap3A_584 = arith.index_cast %add3A_583 : i32 to index
          %swap3A_585 = tpu.vector_load %arg16[%swap3A_584] {strides = array<i32>} : memref<1184xf32, #tpu.memory_space<vmem>>, vector<16xf32>,
          %swap3A_586 = vector.shape_cast %swap3A_585 : vector<16xf32> to vector<16xf32>
          %swap3A_587 = vector.shape_cast %get3A_577 : vector<16xf32> to vector<16xf32>
          tpu.vector_store %arg16[%swap3A_584], %swap3A_587 {strides = array<i32>} : memref<1184xf32, #tpu.memory_space<vmem>>, vector<16xf32>,
          %get3A_588 = arith.constant 1 : i32
          %get3A_589 = arith.index_cast %scan3A_108 : i32 to index
          %get3A_590 = arith.index_cast %get3A_588 : i32 to index
          %get3A_591 = arith.constant 112 : index
          %get3A_592 = tpu.vector_load %arg9[%get3A_589, %get3A_590, %get3A_591] {strides = array<i32>} : memref<9x4x128xf32, #tpu.memory_space<vmem>>, vector<1x1x16xf32>,
          %get3A_593 = vector.shape_cast %get3A_592 : vector<1x1x16xf32> to vector<16xf32>
          %mul3A_594 = arith.constant 128 : i32
          %mul3A_595 = arith.muli %scan3A_108, %mul3A_594 : i32
          %add3A_596 = arith.constant 16 : i32
          %add3A_597 = arith.addi %add3A_596, %mul3A_595 : i32
          %add3A_598 = arith.constant 112 : i32
          %add3A_599 = arith.addi %add3A_597, %add3A_598 : i32
          %swap3A_600 = arith.index_cast %add3A_599 : i32 to index
          %swap3A_601 = tpu.vector_load %arg12[%swap3A_600] {strides = array<i32>} : memref<1184xf32, #tpu.memory_space<vmem>>, vector<16xf32>,
          %swap3A_602 = vector.shape_cast %swap3A_601 : vector<16xf32> to vector<16xf32>
          %swap3A_603 = vector.shape_cast %get3A_593 : vector<16xf32> to vector<16xf32>
          tpu.vector_store %arg12[%swap3A_600], %swap3A_603 {strides = array<i32>} : memref<1184xf32, #tpu.memory_space<vmem>>, vector<16xf32>,
          %get3A_604 = arith.constant 1 : i32
          %get3A_605 = arith.index_cast %scan3A_108 : i32 to index
          %get3A_606 = arith.index_cast %get3A_604 : i32 to index
          %get3A_607 = arith.constant 112 : index
          %get3A_608 = tpu.vector_load %arg10[%get3A_605, %get3A_606, %get3A_607] {strides = array<i32>} : memref<9x4x128xf32, #tpu.memory_space<vmem>>, vector<1x1x16xf32>,
          %get3A_609 = vector.shape_cast %get3A_608 : vector<1x1x16xf32> to vector<16xf32>
          %mul3A_610 = arith.constant 128 : i32
          %mul3A_611 = arith.muli %scan3A_108, %mul3A_610 : i32
          %add3A_612 = arith.constant 16 : i32
          %add3A_613 = arith.addi %add3A_612, %mul3A_611 : i32
          %add3A_614 = arith.constant 112 : i32
          %add3A_615 = arith.addi %add3A_613, %add3A_614 : i32
          %swap3A_616 = arith.index_cast %add3A_615 : i32 to index
          %swap3A_617 = tpu.vector_load %arg16[%swap3A_616] {strides = array<i32>} : memref<1184xf32, #tpu.memory_space<vmem>>, vector<16xf32>,
          %swap3A_618 = vector.shape_cast %swap3A_617 : vector<16xf32> to vector<16xf32>
          %swap3A_619 = vector.shape_cast %get3A_609 : vector<16xf32> to vector<16xf32>
          tpu.vector_store %arg16[%swap3A_616], %swap3A_619 {strides = array<i32>} : memref<1184xf32, #tpu.memory_space<vmem>>, vector<16xf32>,
          %get3A_620 = arith.constant 2 : i32
          %get3A_621 = arith.index_cast %scan3A_108 : i32 to index
          %get3A_622 = arith.index_cast %get3A_620 : i32 to index
          %get3A_623 = arith.constant 0 : index
          %get3A_624 = tpu.vector_load %arg9[%get3A_621, %get3A_622, %get3A_623] {strides = array<i32>} : memref<9x4x128xf32, #tpu.memory_space<vmem>>, vector<1x1x16xf32>,
          %get3A_625 = vector.shape_cast %get3A_624 : vector<1x1x16xf32> to vector<16xf32>
          %mul3A_626 = arith.constant 128 : i32
          %mul3A_627 = arith.muli %scan3A_108, %mul3A_626 : i32
          %add3A_628 = arith.constant 16 : i32
          %add3A_629 = arith.addi %add3A_628, %mul3A_627 : i32
          %add3A_630 = arith.constant 0 : i32
          %add3A_631 = arith.addi %add3A_629, %add3A_630 : i32
          %swap3A_632 = arith.index_cast %add3A_631 : i32 to index
          %swap3A_633 = tpu.vector_load %arg13[%swap3A_632] {strides = array<i32>} : memref<1184xf32, #tpu.memory_space<vmem>>, vector<16xf32>,
          %swap3A_634 = vector.shape_cast %swap3A_633 : vector<16xf32> to vector<16xf32>
          %swap3A_635 = vector.shape_cast %get3A_625 : vector<16xf32> to vector<16xf32>
          tpu.vector_store %arg13[%swap3A_632], %swap3A_635 {strides = array<i32>} : memref<1184xf32, #tpu.memory_space<vmem>>, vector<16xf32>,
          %get3A_636 = arith.constant 2 : i32
          %get3A_637 = arith.index_cast %scan3A_108 : i32 to index
          %get3A_638 = arith.index_cast %get3A_636 : i32 to index
          %get3A_639 = arith.constant 0 : index
          %get3A_640 = tpu.vector_load %arg10[%get3A_637, %get3A_638, %get3A_639] {strides = array<i32>} : memref<9x4x128xf32, #tpu.memory_space<vmem>>, vector<1x1x16xf32>,
          %get3A_641 = vector.shape_cast %get3A_640 : vector<1x1x16xf32> to vector<16xf32>
          %mul3A_642 = arith.constant 128 : i32
          %mul3A_643 = arith.muli %scan3A_108, %mul3A_642 : i32
          %add3A_644 = arith.constant 16 : i32
          %add3A_645 = arith.addi %add3A_644, %mul3A_643 : i32
          %add3A_646 = arith.constant 0 : i32
          %add3A_647 = arith.addi %add3A_645, %add3A_646 : i32
          %swap3A_648 = arith.index_cast %add3A_647 : i32 to index
          %swap3A_649 = tpu.vector_load %arg17[%swap3A_648] {strides = array<i32>} : memref<1184xf32, #tpu.memory_space<vmem>>, vector<16xf32>,
          %swap3A_650 = vector.shape_cast %swap3A_649 : vector<16xf32> to vector<16xf32>
          %swap3A_651 = vector.shape_cast %get3A_641 : vector<16xf32> to vector<16xf32>
          tpu.vector_store %arg17[%swap3A_648], %swap3A_651 {strides = array<i32>} : memref<1184xf32, #tpu.memory_space<vmem>>, vector<16xf32>,
          %get3A_652 = arith.constant 2 : i32
          %get3A_653 = arith.index_cast %scan3A_108 : i32 to index
          %get3A_654 = arith.index_cast %get3A_652 : i32 to index
          %get3A_655 = arith.constant 16 : index
          %get3A_656 = tpu.vector_load %arg9[%get3A_653, %get3A_654, %get3A_655] {strides = array<i32>} : memref<9x4x128xf32, #tpu.memory_space<vmem>>, vector<1x1x16xf32>,
          %get3A_657 = vector.shape_cast %get3A_656 : vector<1x1x16xf32> to vector<16xf32>
          %mul3A_658 = arith.constant 128 : i32
          %mul3A_659 = arith.muli %scan3A_108, %mul3A_658 : i32
          %add3A_660 = arith.constant 16 : i32
          %add3A_661 = arith.addi %add3A_660, %mul3A_659 : i32
          %add3A_662 = arith.constant 16 : i32
          %add3A_663 = arith.addi %add3A_661, %add3A_662 : i32
          %swap3A_664 = arith.index_cast %add3A_663 : i32 to index
          %swap3A_665 = tpu.vector_load %arg13[%swap3A_664] {strides = array<i32>} : memref<1184xf32, #tpu.memory_space<vmem>>, vector<16xf32>,
          %swap3A_666 = vector.shape_cast %swap3A_665 : vector<16xf32> to vector<16xf32>
          %swap3A_667 = vector.shape_cast %get3A_657 : vector<16xf32> to vector<16xf32>
          tpu.vector_store %arg13[%swap3A_664], %swap3A_667 {strides = array<i32>} : memref<1184xf32, #tpu.memory_space<vmem>>, vector<16xf32>,
          %get3A_668 = arith.constant 2 : i32
          %get3A_669 = arith.index_cast %scan3A_108 : i32 to index
          %get3A_670 = arith.index_cast %get3A_668 : i32 to index
          %get3A_671 = arith.constant 16 : index
          %get3A_672 = tpu.vector_load %arg10[%get3A_669, %get3A_670, %get3A_671] {strides = array<i32>} : memref<9x4x128xf32, #tpu.memory_space<vmem>>, vector<1x1x16xf32>,
          %get3A_673 = vector.shape_cast %get3A_672 : vector<1x1x16xf32> to vector<16xf32>
          %mul3A_674 = arith.constant 128 : i32
          %mul3A_675 = arith.muli %scan3A_108, %mul3A_674 : i32
          %add3A_676 = arith.constant 16 : i32
          %add3A_677 = arith.addi %add3A_676, %mul3A_675 : i32
          %add3A_678 = arith.constant 16 : i32
          %add3A_679 = arith.addi %add3A_677, %add3A_678 : i32
          %swap3A_680 = arith.index_cast %add3A_679 : i32 to index
          %swap3A_681 = tpu.vector_load %arg17[%swap3A_680] {strides = array<i32>} : memref<1184xf32, #tpu.memory_space<vmem>>, vector<16xf32>,
          %swap3A_682 = vector.shape_cast %swap3A_681 : vector<16xf32> to vector<16xf32>
          %swap3A_683 = vector.shape_cast %get3A_673 : vector<16xf32> to vector<16xf32>
          tpu.vector_store %arg17[%swap3A_680], %swap3A_683 {strides = array<i32>} : memref<1184xf32, #tpu.memory_space<vmem>>, vector<16xf32>,
          %get3A_684 = arith.constant 2 : i32
          %get3A_685 = arith.index_cast %scan3A_108 : i32 to index
          %get3A_686 = arith.index_cast %get3A_684 : i32 to index
          %get3A_687 = arith.constant 32 : index
          %get3A_688 = tpu.vector_load %arg9[%get3A_685, %get3A_686, %get3A_687] {strides = array<i32>} : memref<9x4x128xf32, #tpu.memory_space<vmem>>, vector<1x1x16xf32>,
          %get3A_689 = vector.shape_cast %get3A_688 : vector<1x1x16xf32> to vector<16xf32>
          %mul3A_690 = arith.constant 128 : i32
          %mul3A_691 = arith.muli %scan3A_108, %mul3A_690 : i32
          %add3A_692 = arith.constant 16 : i32
          %add3A_693 = arith.addi %add3A_692, %mul3A_691 : i32
          %add3A_694 = arith.constant 32 : i32
          %add3A_695 = arith.addi %add3A_693, %add3A_694 : i32
          %swap3A_696 = arith.index_cast %add3A_695 : i32 to index
          %swap3A_697 = tpu.vector_load %arg13[%swap3A_696] {strides = array<i32>} : memref<1184xf32, #tpu.memory_space<vmem>>, vector<16xf32>,
          %swap3A_698 = vector.shape_cast %swap3A_697 : vector<16xf32> to vector<16xf32>
          %swap3A_699 = vector.shape_cast %get3A_689 : vector<16xf32> to vector<16xf32>
          tpu.vector_store %arg13[%swap3A_696], %swap3A_699 {strides = array<i32>} : memref<1184xf32, #tpu.memory_space<vmem>>, vector<16xf32>,
          %get3A_700 = arith.constant 2 : i32
          %get3A_701 = arith.index_cast %scan3A_108 : i32 to index
          %get3A_702 = arith.index_cast %get3A_700 : i32 to index
          %get3A_703 = arith.constant 32 : index
          %get3A_704 = tpu.vector_load %arg10[%get3A_701, %get3A_702, %get3A_703] {strides = array<i32>} : memref<9x4x128xf32, #tpu.memory_space<vmem>>, vector<1x1x16xf32>,
          %get3A_705 = vector.shape_cast %get3A_704 : vector<1x1x16xf32> to vector<16xf32>
          %mul3A_706 = arith.constant 128 : i32
          %mul3A_707 = arith.muli %scan3A_108, %mul3A_706 : i32
          %add3A_708 = arith.constant 16 : i32
          %add3A_709 = arith.addi %add3A_708, %mul3A_707 : i32
          %add3A_710 = arith.constant 32 : i32
          %add3A_711 = arith.addi %add3A_709, %add3A_710 : i32
          %swap3A_712 = arith.index_cast %add3A_711 : i32 to index
          %swap3A_713 = tpu.vector_load %arg17[%swap3A_712] {strides = array<i32>} : memref<1184xf32, #tpu.memory_space<vmem>>, vector<16xf32>,
          %swap3A_714 = vector.shape_cast %swap3A_713 : vector<16xf32> to vector<16xf32>
          %swap3A_715 = vector.shape_cast %get3A_705 : vector<16xf32> to vector<16xf32>
          tpu.vector_store %arg17[%swap3A_712], %swap3A_715 {strides = array<i32>} : memref<1184xf32, #tpu.memory_space<vmem>>, vector<16xf32>,
          %get3A_716 = arith.constant 2 : i32
          %get3A_717 = arith.index_cast %scan3A_108 : i32 to index
          %get3A_718 = arith.index_cast %get3A_716 : i32 to index
          %get3A_719 = arith.constant 48 : index
          %get3A_720 = tpu.vector_load %arg9[%get3A_717, %get3A_718, %get3A_719] {strides = array<i32>} : memref<9x4x128xf32, #tpu.memory_space<vmem>>, vector<1x1x16xf32>,
          %get3A_721 = vector.shape_cast %get3A_720 : vector<1x1x16xf32> to vector<16xf32>
          %mul3A_722 = arith.constant 128 : i32
          %mul3A_723 = arith.muli %scan3A_108, %mul3A_722 : i32
          %add3A_724 = arith.constant 16 : i32
          %add3A_725 = arith.addi %add3A_724, %mul3A_723 : i32
          %add3A_726 = arith.constant 48 : i32
          %add3A_727 = arith.addi %add3A_725, %add3A_726 : i32
          %swap3A_728 = arith.index_cast %add3A_727 : i32 to index
          %swap3A_729 = tpu.vector_load %arg13[%swap3A_728] {strides = array<i32>} : memref<1184xf32, #tpu.memory_space<vmem>>, vector<16xf32>,
          %swap3A_730 = vector.shape_cast %swap3A_729 : vector<16xf32> to vector<16xf32>
          %swap3A_731 = vector.shape_cast %get3A_721 : vector<16xf32> to vector<16xf32>
          tpu.vector_store %arg13[%swap3A_728], %swap3A_731 {strides = array<i32>} : memref<1184xf32, #tpu.memory_space<vmem>>, vector<16xf32>,
          %get3A_732 = arith.constant 2 : i32
          %get3A_733 = arith.index_cast %scan3A_108 : i32 to index
          %get3A_734 = arith.index_cast %get3A_732 : i32 to index
          %get3A_735 = arith.constant 48 : index
          %get3A_736 = tpu.vector_load %arg10[%get3A_733, %get3A_734, %get3A_735] {strides = array<i32>} : memref<9x4x128xf32, #tpu.memory_space<vmem>>, vector<1x1x16xf32>,
          %get3A_737 = vector.shape_cast %get3A_736 : vector<1x1x16xf32> to vector<16xf32>
          %mul3A_738 = arith.constant 128 : i32
          %mul3A_739 = arith.muli %scan3A_108, %mul3A_738 : i32
          %add3A_740 = arith.constant 16 : i32
          %add3A_741 = arith.addi %add3A_740, %mul3A_739 : i32
          %add3A_742 = arith.constant 48 : i32
          %add3A_743 = arith.addi %add3A_741, %add3A_742 : i32
          %swap3A_744 = arith.index_cast %add3A_743 : i32 to index
          %swap3A_745 = tpu.vector_load %arg17[%swap3A_744] {strides = array<i32>} : memref<1184xf32, #tpu.memory_space<vmem>>, vector<16xf32>,
          %swap3A_746 = vector.shape_cast %swap3A_745 : vector<16xf32> to vector<16xf32>
          %swap3A_747 = vector.shape_cast %get3A_737 : vector<16xf32> to vector<16xf32>
          tpu.vector_store %arg17[%swap3A_744], %swap3A_747 {strides = array<i32>} : memref<1184xf32, #tpu.memory_space<vmem>>, vector<16xf32>,
          %get3A_748 = arith.constant 2 : i32
          %get3A_749 = arith.index_cast %scan3A_108 : i32 to index
          %get3A_750 = arith.index_cast %get3A_748 : i32 to index
          %get3A_751 = arith.constant 64 : index
          %get3A_752 = tpu.vector_load %arg9[%get3A_749, %get3A_750, %get3A_751] {strides = array<i32>} : memref<9x4x128xf32, #tpu.memory_space<vmem>>, vector<1x1x16xf32>,
          %get3A_753 = vector.shape_cast %get3A_752 : vector<1x1x16xf32> to vector<16xf32>
          %mul3A_754 = arith.constant 128 : i32
          %mul3A_755 = arith.muli %scan3A_108, %mul3A_754 : i32
          %add3A_756 = arith.constant 16 : i32
          %add3A_757 = arith.addi %add3A_756, %mul3A_755 : i32
          %add3A_758 = arith.constant 64 : i32
          %add3A_759 = arith.addi %add3A_757, %add3A_758 : i32
          %swap3A_760 = arith.index_cast %add3A_759 : i32 to index
          %swap3A_761 = tpu.vector_load %arg13[%swap3A_760] {strides = array<i32>} : memref<1184xf32, #tpu.memory_space<vmem>>, vector<16xf32>,
          %swap3A_762 = vector.shape_cast %swap3A_761 : vector<16xf32> to vector<16xf32>
          %swap3A_763 = vector.shape_cast %get3A_753 : vector<16xf32> to vector<16xf32>
          tpu.vector_store %arg13[%swap3A_760], %swap3A_763 {strides = array<i32>} : memref<1184xf32, #tpu.memory_space<vmem>>, vector<16xf32>,
          %get3A_764 = arith.constant 2 : i32
          %get3A_765 = arith.index_cast %scan3A_108 : i32 to index
          %get3A_766 = arith.index_cast %get3A_764 : i32 to index
          %get3A_767 = arith.constant 64 : index
          %get3A_768 = tpu.vector_load %arg10[%get3A_765, %get3A_766, %get3A_767] {strides = array<i32>} : memref<9x4x128xf32, #tpu.memory_space<vmem>>, vector<1x1x16xf32>,
          %get3A_769 = vector.shape_cast %get3A_768 : vector<1x1x16xf32> to vector<16xf32>
          %mul3A_770 = arith.constant 128 : i32
          %mul3A_771 = arith.muli %scan3A_108, %mul3A_770 : i32
          %add3A_772 = arith.constant 16 : i32
          %add3A_773 = arith.addi %add3A_772, %mul3A_771 : i32
          %add3A_774 = arith.constant 64 : i32
          %add3A_775 = arith.addi %add3A_773, %add3A_774 : i32
          %swap3A_776 = arith.index_cast %add3A_775 : i32 to index
          %swap3A_777 = tpu.vector_load %arg17[%swap3A_776] {strides = array<i32>} : memref<1184xf32, #tpu.memory_space<vmem>>, vector<16xf32>,
          %swap3A_778 = vector.shape_cast %swap3A_777 : vector<16xf32> to vector<16xf32>
          %swap3A_779 = vector.shape_cast %get3A_769 : vector<16xf32> to vector<16xf32>
          tpu.vector_store %arg17[%swap3A_776], %swap3A_779 {strides = array<i32>} : memref<1184xf32, #tpu.memory_space<vmem>>, vector<16xf32>,
          %get3A_780 = arith.constant 2 : i32
          %get3A_781 = arith.index_cast %scan3A_108 : i32 to index
          %get3A_782 = arith.index_cast %get3A_780 : i32 to index
          %get3A_783 = arith.constant 80 : index
          %get3A_784 = tpu.vector_load %arg9[%get3A_781, %get3A_782, %get3A_783] {strides = array<i32>} : memref<9x4x128xf32, #tpu.memory_space<vmem>>, vector<1x1x16xf32>,
          %get3A_785 = vector.shape_cast %get3A_784 : vector<1x1x16xf32> to vector<16xf32>
          %mul3A_786 = arith.constant 128 : i32
          %mul3A_787 = arith.muli %scan3A_108, %mul3A_786 : i32
          %add3A_788 = arith.constant 16 : i32
          %add3A_789 = arith.addi %add3A_788, %mul3A_787 : i32
          %add3A_790 = arith.constant 80 : i32
          %add3A_791 = arith.addi %add3A_789, %add3A_790 : i32
          %swap3A_792 = arith.index_cast %add3A_791 : i32 to index
          %swap3A_793 = tpu.vector_load %arg13[%swap3A_792] {strides = array<i32>} : memref<1184xf32, #tpu.memory_space<vmem>>, vector<16xf32>,
          %swap3A_794 = vector.shape_cast %swap3A_793 : vector<16xf32> to vector<16xf32>
          %swap3A_795 = vector.shape_cast %get3A_785 : vector<16xf32> to vector<16xf32>
          tpu.vector_store %arg13[%swap3A_792], %swap3A_795 {strides = array<i32>} : memref<1184xf32, #tpu.memory_space<vmem>>, vector<16xf32>,
          %get3A_796 = arith.constant 2 : i32
          %get3A_797 = arith.index_cast %scan3A_108 : i32 to index
          %get3A_798 = arith.index_cast %get3A_796 : i32 to index
          %get3A_799 = arith.constant 80 : index
          %get3A_800 = tpu.vector_load %arg10[%get3A_797, %get3A_798, %get3A_799] {strides = array<i32>} : memref<9x4x128xf32, #tpu.memory_space<vmem>>, vector<1x1x16xf32>,
          %get3A_801 = vector.shape_cast %get3A_800 : vector<1x1x16xf32> to vector<16xf32>
          %mul3A_802 = arith.constant 128 : i32
          %mul3A_803 = arith.muli %scan3A_108, %mul3A_802 : i32
          %add3A_804 = arith.constant 16 : i32
          %add3A_805 = arith.addi %add3A_804, %mul3A_803 : i32
          %add3A_806 = arith.constant 80 : i32
          %add3A_807 = arith.addi %add3A_805, %add3A_806 : i32
          %swap3A_808 = arith.index_cast %add3A_807 : i32 to index
          %swap3A_809 = tpu.vector_load %arg17[%swap3A_808] {strides = array<i32>} : memref<1184xf32, #tpu.memory_space<vmem>>, vector<16xf32>,
          %swap3A_810 = vector.shape_cast %swap3A_809 : vector<16xf32> to vector<16xf32>
          %swap3A_811 = vector.shape_cast %get3A_801 : vector<16xf32> to vector<16xf32>
          tpu.vector_store %arg17[%swap3A_808], %swap3A_811 {strides = array<i32>} : memref<1184xf32, #tpu.memory_space<vmem>>, vector<16xf32>,
          %get3A_812 = arith.constant 2 : i32
          %get3A_813 = arith.index_cast %scan3A_108 : i32 to index
          %get3A_814 = arith.index_cast %get3A_812 : i32 to index
          %get3A_815 = arith.constant 96 : index
          %get3A_816 = tpu.vector_load %arg9[%get3A_813, %get3A_814, %get3A_815] {strides = array<i32>} : memref<9x4x128xf32, #tpu.memory_space<vmem>>, vector<1x1x16xf32>,
          %get3A_817 = vector.shape_cast %get3A_816 : vector<1x1x16xf32> to vector<16xf32>
          %mul3A_818 = arith.constant 128 : i32
          %mul3A_819 = arith.muli %scan3A_108, %mul3A_818 : i32
          %add3A_820 = arith.constant 16 : i32
          %add3A_821 = arith.addi %add3A_820, %mul3A_819 : i32
          %add3A_822 = arith.constant 96 : i32
          %add3A_823 = arith.addi %add3A_821, %add3A_822 : i32
          %swap3A_824 = arith.index_cast %add3A_823 : i32 to index
          %swap3A_825 = tpu.vector_load %arg13[%swap3A_824] {strides = array<i32>} : memref<1184xf32, #tpu.memory_space<vmem>>, vector<16xf32>,
          %swap3A_826 = vector.shape_cast %swap3A_825 : vector<16xf32> to vector<16xf32>
          %swap3A_827 = vector.shape_cast %get3A_817 : vector<16xf32> to vector<16xf32>
          tpu.vector_store %arg13[%swap3A_824], %swap3A_827 {strides = array<i32>} : memref<1184xf32, #tpu.memory_space<vmem>>, vector<16xf32>,
          %get3A_828 = arith.constant 2 : i32
          %get3A_829 = arith.index_cast %scan3A_108 : i32 to index
          %get3A_830 = arith.index_cast %get3A_828 : i32 to index
          %get3A_831 = arith.constant 96 : index
          %get3A_832 = tpu.vector_load %arg10[%get3A_829, %get3A_830, %get3A_831] {strides = array<i32>} : memref<9x4x128xf32, #tpu.memory_space<vmem>>, vector<1x1x16xf32>,
          %get3A_833 = vector.shape_cast %get3A_832 : vector<1x1x16xf32> to vector<16xf32>
          %mul3A_834 = arith.constant 128 : i32
          %mul3A_835 = arith.muli %scan3A_108, %mul3A_834 : i32
          %add3A_836 = arith.constant 16 : i32
          %add3A_837 = arith.addi %add3A_836, %mul3A_835 : i32
          %add3A_838 = arith.constant 96 : i32
          %add3A_839 = arith.addi %add3A_837, %add3A_838 : i32
          %swap3A_840 = arith.index_cast %add3A_839 : i32 to index
          %swap3A_841 = tpu.vector_load %arg17[%swap3A_840] {strides = array<i32>} : memref<1184xf32, #tpu.memory_space<vmem>>, vector<16xf32>,
          %swap3A_842 = vector.shape_cast %swap3A_841 : vector<16xf32> to vector<16xf32>
          %swap3A_843 = vector.shape_cast %get3A_833 : vector<16xf32> to vector<16xf32>
          tpu.vector_store %arg17[%swap3A_840], %swap3A_843 {strides = array<i32>} : memref<1184xf32, #tpu.memory_space<vmem>>, vector<16xf32>,
          %get3A_844 = arith.constant 2 : i32
          %get3A_845 = arith.index_cast %scan3A_108 : i32 to index
          %get3A_846 = arith.index_cast %get3A_844 : i32 to index
          %get3A_847 = arith.constant 112 : index
          %get3A_848 = tpu.vector_load %arg9[%get3A_845, %get3A_846, %get3A_847] {strides = array<i32>} : memref<9x4x128xf32, #tpu.memory_space<vmem>>, vector<1x1x16xf32>,
          %get3A_849 = vector.shape_cast %get3A_848 : vector<1x1x16xf32> to vector<16xf32>
          %mul3A_850 = arith.constant 128 : i32
          %mul3A_851 = arith.muli %scan3A_108, %mul3A_850 : i32
          %add3A_852 = arith.constant 16 : i32
          %add3A_853 = arith.addi %add3A_852, %mul3A_851 : i32
          %add3A_854 = arith.constant 112 : i32
          %add3A_855 = arith.addi %add3A_853, %add3A_854 : i32
          %swap3A_856 = arith.index_cast %add3A_855 : i32 to index
          %swap3A_857 = tpu.vector_load %arg13[%swap3A_856] {strides = array<i32>} : memref<1184xf32, #tpu.memory_space<vmem>>, vector<16xf32>,
          %swap3A_858 = vector.shape_cast %swap3A_857 : vector<16xf32> to vector<16xf32>
          %swap3A_859 = vector.shape_cast %get3A_849 : vector<16xf32> to vector<16xf32>
          tpu.vector_store %arg13[%swap3A_856], %swap3A_859 {strides = array<i32>} : memref<1184xf32, #tpu.memory_space<vmem>>, vector<16xf32>,
          %get3A_860 = arith.constant 2 : i32
          %get3A_861 = arith.index_cast %scan3A_108 : i32 to index
          %get3A_862 = arith.index_cast %get3A_860 : i32 to index
          %get3A_863 = arith.constant 112 : index
          %get3A_864 = tpu.vector_load %arg10[%get3A_861, %get3A_862, %get3A_863] {strides = array<i32>} : memref<9x4x128xf32, #tpu.memory_space<vmem>>, vector<1x1x16xf32>,
          %get3A_865 = vector.shape_cast %get3A_864 : vector<1x1x16xf32> to vector<16xf32>
          %mul3A_866 = arith.constant 128 : i32
          %mul3A_867 = arith.muli %scan3A_108, %mul3A_866 : i32
          %add3A_868 = arith.constant 16 : i32
          %add3A_869 = arith.addi %add3A_868, %mul3A_867 : i32
          %add3A_870 = arith.constant 112 : i32
          %add3A_871 = arith.addi %add3A_869, %add3A_870 : i32
          %swap3A_872 = arith.index_cast %add3A_871 : i32 to index
          %swap3A_873 = tpu.vector_load %arg17[%swap3A_872] {strides = array<i32>} : memref<1184xf32, #tpu.memory_space<vmem>>, vector<16xf32>,
          %swap3A_874 = vector.shape_cast %swap3A_873 : vector<16xf32> to vector<16xf32>
          %swap3A_875 = vector.shape_cast %get3A_865 : vector<16xf32> to vector<16xf32>
          tpu.vector_store %arg17[%swap3A_872], %swap3A_875 {strides = array<i32>} : memref<1184xf32, #tpu.memory_space<vmem>>, vector<16xf32>,
          %get3A_876 = arith.constant 3 : i32
          %get3A_877 = arith.index_cast %scan3A_108 : i32 to index
          %get3A_878 = arith.index_cast %get3A_876 : i32 to index
          %get3A_879 = arith.constant 0 : index
          %get3A_880 = tpu.vector_load %arg9[%get3A_877, %get3A_878, %get3A_879] {strides = array<i32>} : memref<9x4x128xf32, #tpu.memory_space<vmem>>, vector<1x1x16xf32>,
          %get3A_881 = vector.shape_cast %get3A_880 : vector<1x1x16xf32> to vector<16xf32>
          %mul3A_882 = arith.constant 128 : i32
          %mul3A_883 = arith.muli %scan3A_108, %mul3A_882 : i32
          %add3A_884 = arith.constant 16 : i32
          %add3A_885 = arith.addi %add3A_884, %mul3A_883 : i32
          %add3A_886 = arith.constant 0 : i32
          %add3A_887 = arith.addi %add3A_885, %add3A_886 : i32
          %swap3A_888 = arith.index_cast %add3A_887 : i32 to index
          %swap3A_889 = tpu.vector_load %arg14[%swap3A_888] {strides = array<i32>} : memref<1184xf32, #tpu.memory_space<vmem>>, vector<16xf32>,
          %swap3A_890 = vector.shape_cast %swap3A_889 : vector<16xf32> to vector<16xf32>
          %swap3A_891 = vector.shape_cast %get3A_881 : vector<16xf32> to vector<16xf32>
          tpu.vector_store %arg14[%swap3A_888], %swap3A_891 {strides = array<i32>} : memref<1184xf32, #tpu.memory_space<vmem>>, vector<16xf32>,
          %get3A_892 = arith.constant 3 : i32
          %get3A_893 = arith.index_cast %scan3A_108 : i32 to index
          %get3A_894 = arith.index_cast %get3A_892 : i32 to index
          %get3A_895 = arith.constant 0 : index
          %get3A_896 = tpu.vector_load %arg10[%get3A_893, %get3A_894, %get3A_895] {strides = array<i32>} : memref<9x4x128xf32, #tpu.memory_space<vmem>>, vector<1x1x16xf32>,
          %get3A_897 = vector.shape_cast %get3A_896 : vector<1x1x16xf32> to vector<16xf32>
          %mul3A_898 = arith.constant 128 : i32
          %mul3A_899 = arith.muli %scan3A_108, %mul3A_898 : i32
          %add3A_900 = arith.constant 16 : i32
          %add3A_901 = arith.addi %add3A_900, %mul3A_899 : i32
          %add3A_902 = arith.constant 0 : i32
          %add3A_903 = arith.addi %add3A_901, %add3A_902 : i32
          %swap3A_904 = arith.index_cast %add3A_903 : i32 to index
          %swap3A_905 = tpu.vector_load %arg18[%swap3A_904] {strides = array<i32>} : memref<1184xf32, #tpu.memory_space<vmem>>, vector<16xf32>,
          %swap3A_906 = vector.shape_cast %swap3A_905 : vector<16xf32> to vector<16xf32>
          %swap3A_907 = vector.shape_cast %get3A_897 : vector<16xf32> to vector<16xf32>
          tpu.vector_store %arg18[%swap3A_904], %swap3A_907 {strides = array<i32>} : memref<1184xf32, #tpu.memory_space<vmem>>, vector<16xf32>,
          %get3A_908 = arith.constant 3 : i32
          %get3A_909 = arith.index_cast %scan3A_108 : i32 to index
          %get3A_910 = arith.index_cast %get3A_908 : i32 to index
          %get3A_911 = arith.constant 16 : index
          %get3A_912 = tpu.vector_load %arg9[%get3A_909, %get3A_910, %get3A_911] {strides = array<i32>} : memref<9x4x128xf32, #tpu.memory_space<vmem>>, vector<1x1x16xf32>,
          %get3A_913 = vector.shape_cast %get3A_912 : vector<1x1x16xf32> to vector<16xf32>
          %mul3A_914 = arith.constant 128 : i32
          %mul3A_915 = arith.muli %scan3A_108, %mul3A_914 : i32
          %add3A_916 = arith.constant 16 : i32
          %add3A_917 = arith.addi %add3A_916, %mul3A_915 : i32
          %add3A_918 = arith.constant 16 : i32
          %add3A_919 = arith.addi %add3A_917, %add3A_918 : i32
          %swap3A_920 = arith.index_cast %add3A_919 : i32 to index
          %swap3A_921 = tpu.vector_load %arg14[%swap3A_920] {strides = array<i32>} : memref<1184xf32, #tpu.memory_space<vmem>>, vector<16xf32>,
          %swap3A_922 = vector.shape_cast %swap3A_921 : vector<16xf32> to vector<16xf32>
          %swap3A_923 = vector.shape_cast %get3A_913 : vector<16xf32> to vector<16xf32>
          tpu.vector_store %arg14[%swap3A_920], %swap3A_923 {strides = array<i32>} : memref<1184xf32, #tpu.memory_space<vmem>>, vector<16xf32>,
          %get3A_924 = arith.constant 3 : i32
          %get3A_925 = arith.index_cast %scan3A_108 : i32 to index
          %get3A_926 = arith.index_cast %get3A_924 : i32 to index
          %get3A_927 = arith.constant 16 : index
          %get3A_928 = tpu.vector_load %arg10[%get3A_925, %get3A_926, %get3A_927] {strides = array<i32>} : memref<9x4x128xf32, #tpu.memory_space<vmem>>, vector<1x1x16xf32>,
          %get3A_929 = vector.shape_cast %get3A_928 : vector<1x1x16xf32> to vector<16xf32>
          %mul3A_930 = arith.constant 128 : i32
          %mul3A_931 = arith.muli %scan3A_108, %mul3A_930 : i32
          %add3A_932 = arith.constant 16 : i32
          %add3A_933 = arith.addi %add3A_932, %mul3A_931 : i32
          %add3A_934 = arith.constant 16 : i32
          %add3A_935 = arith.addi %add3A_933, %add3A_934 : i32
          %swap3A_936 = arith.index_cast %add3A_935 : i32 to index
          %swap3A_937 = tpu.vector_load %arg18[%swap3A_936] {strides = array<i32>} : memref<1184xf32, #tpu.memory_space<vmem>>, vector<16xf32>,
          %swap3A_938 = vector.shape_cast %swap3A_937 : vector<16xf32> to vector<16xf32>
          %swap3A_939 = vector.shape_cast %get3A_929 : vector<16xf32> to vector<16xf32>
          tpu.vector_store %arg18[%swap3A_936], %swap3A_939 {strides = array<i32>} : memref<1184xf32, #tpu.memory_space<vmem>>, vector<16xf32>,
          %get3A_940 = arith.constant 3 : i32
          %get3A_941 = arith.index_cast %scan3A_108 : i32 to index
          %get3A_942 = arith.index_cast %get3A_940 : i32 to index
          %get3A_943 = arith.constant 32 : index
          %get3A_944 = tpu.vector_load %arg9[%get3A_941, %get3A_942, %get3A_943] {strides = array<i32>} : memref<9x4x128xf32, #tpu.memory_space<vmem>>, vector<1x1x16xf32>,
          %get3A_945 = vector.shape_cast %get3A_944 : vector<1x1x16xf32> to vector<16xf32>
          %mul3A_946 = arith.constant 128 : i32
          %mul3A_947 = arith.muli %scan3A_108, %mul3A_946 : i32
          %add3A_948 = arith.constant 16 : i32
          %add3A_949 = arith.addi %add3A_948, %mul3A_947 : i32
          %add3A_950 = arith.constant 32 : i32
          %add3A_951 = arith.addi %add3A_949, %add3A_950 : i32
          %swap3A_952 = arith.index_cast %add3A_951 : i32 to index
          %swap3A_953 = tpu.vector_load %arg14[%swap3A_952] {strides = array<i32>} : memref<1184xf32, #tpu.memory_space<vmem>>, vector<16xf32>,
          %swap3A_954 = vector.shape_cast %swap3A_953 : vector<16xf32> to vector<16xf32>
          %swap3A_955 = vector.shape_cast %get3A_945 : vector<16xf32> to vector<16xf32>
          tpu.vector_store %arg14[%swap3A_952], %swap3A_955 {strides = array<i32>} : memref<1184xf32, #tpu.memory_space<vmem>>, vector<16xf32>,
          %get3A_956 = arith.constant 3 : i32
          %get3A_957 = arith.index_cast %scan3A_108 : i32 to index
          %get3A_958 = arith.index_cast %get3A_956 : i32 to index
          %get3A_959 = arith.constant 32 : index
          %get3A_960 = tpu.vector_load %arg10[%get3A_957, %get3A_958, %get3A_959] {strides = array<i32>} : memref<9x4x128xf32, #tpu.memory_space<vmem>>, vector<1x1x16xf32>,
          %get3A_961 = vector.shape_cast %get3A_960 : vector<1x1x16xf32> to vector<16xf32>
          %mul3A_962 = arith.constant 128 : i32
          %mul3A_963 = arith.muli %scan3A_108, %mul3A_962 : i32
          %add3A_964 = arith.constant 16 : i32
          %add3A_965 = arith.addi %add3A_964, %mul3A_963 : i32
          %add3A_966 = arith.constant 32 : i32
          %add3A_967 = arith.addi %add3A_965, %add3A_966 : i32
          %swap3A_968 = arith.index_cast %add3A_967 : i32 to index
          %swap3A_969 = tpu.vector_load %arg18[%swap3A_968] {strides = array<i32>} : memref<1184xf32, #tpu.memory_space<vmem>>, vector<16xf32>,
          %swap3A_970 = vector.shape_cast %swap3A_969 : vector<16xf32> to vector<16xf32>
          %swap3A_971 = vector.shape_cast %get3A_961 : vector<16xf32> to vector<16xf32>
          tpu.vector_store %arg18[%swap3A_968], %swap3A_971 {strides = array<i32>} : memref<1184xf32, #tpu.memory_space<vmem>>, vector<16xf32>,
          %get3A_972 = arith.constant 3 : i32
          %get3A_973 = arith.index_cast %scan3A_108 : i32 to index
          %get3A_974 = arith.index_cast %get3A_972 : i32 to index
          %get3A_975 = arith.constant 48 : index
          %get3A_976 = tpu.vector_load %arg9[%get3A_973, %get3A_974, %get3A_975] {strides = array<i32>} : memref<9x4x128xf32, #tpu.memory_space<vmem>>, vector<1x1x16xf32>,
          %get3A_977 = vector.shape_cast %get3A_976 : vector<1x1x16xf32> to vector<16xf32>
          %mul3A_978 = arith.constant 128 : i32
          %mul3A_979 = arith.muli %scan3A_108, %mul3A_978 : i32
          %add3A_980 = arith.constant 16 : i32
          %add3A_981 = arith.addi %add3A_980, %mul3A_979 : i32
          %add3A_982 = arith.constant 48 : i32
          %add3A_983 = arith.addi %add3A_981, %add3A_982 : i32
          %swap3A_984 = arith.index_cast %add3A_983 : i32 to index
          %swap3A_985 = tpu.vector_load %arg14[%swap3A_984] {strides = array<i32>} : memref<1184xf32, #tpu.memory_space<vmem>>, vector<16xf32>,
          %swap3A_986 = vector.shape_cast %swap3A_985 : vector<16xf32> to vector<16xf32>
          %swap3A_987 = vector.shape_cast %get3A_977 : vector<16xf32> to vector<16xf32>
          tpu.vector_store %arg14[%swap3A_984], %swap3A_987 {strides = array<i32>} : memref<1184xf32, #tpu.memory_space<vmem>>, vector<16xf32>,
          %get3A_988 = arith.constant 3 : i32
          %get3A_989 = arith.index_cast %scan3A_108 : i32 to index
          %get3A_990 = arith.index_cast %get3A_988 : i32 to index
          %get3A_991 = arith.constant 48 : index
          %get3A_992 = tpu.vector_load %arg10[%get3A_989, %get3A_990, %get3A_991] {strides = array<i32>} : memref<9x4x128xf32, #tpu.memory_space<vmem>>, vector<1x1x16xf32>,
          %get3A_993 = vector.shape_cast %get3A_992 : vector<1x1x16xf32> to vector<16xf32>
          %mul3A_994 = arith.constant 128 : i32
          %mul3A_995 = arith.muli %scan3A_108, %mul3A_994 : i32
          %add3A_996 = arith.constant 16 : i32
          %add3A_997 = arith.addi %add3A_996, %mul3A_995 : i32
          %add3A_998 = arith.constant 48 : i32
          %add3A_999 = arith.addi %add3A_997, %add3A_998 : i32
          %swap3A_1000 = arith.index_cast %add3A_999 : i32 to index
          %swap3A_1001 = tpu.vector_load %arg18[%swap3A_1000] {strides = array<i32>} : memref<1184xf32, #tpu.memory_space<vmem>>, vector<16xf32>,
          %swap3A_1002 = vector.shape_cast %swap3A_1001 : vector<16xf32> to vector<16xf32>
          %swap3A_1003 = vector.shape_cast %get3A_993 : vector<16xf32> to vector<16xf32>
          tpu.vector_store %arg18[%swap3A_1000], %swap3A_1003 {strides = array<i32>} : memref<1184xf32, #tpu.memory_space<vmem>>, vector<16xf32>,
          %get3A_1004 = arith.constant 3 : i32
          %get3A_1005 = arith.index_cast %scan3A_108 : i32 to index
          %get3A_1006 = arith.index_cast %get3A_1004 : i32 to index
          %get3A_1007 = arith.constant 64 : index
          %get3A_1008 = tpu.vector_load %arg9[%get3A_1005, %get3A_1006, %get3A_1007] {strides = array<i32>} : memref<9x4x128xf32, #tpu.memory_space<vmem>>, vector<1x1x16xf32>,
          %get3A_1009 = vector.shape_cast %get3A_1008 : vector<1x1x16xf32> to vector<16xf32>
          %mul3A_1010 = arith.constant 128 : i32
          %mul3A_1011 = arith.muli %scan3A_108, %mul3A_1010 : i32
          %add3A_1012 = arith.constant 16 : i32
          %add3A_1013 = arith.addi %add3A_1012, %mul3A_1011 : i32
          %add3A_1014 = arith.constant 64 : i32
          %add3A_1015 = arith.addi %add3A_1013, %add3A_1014 : i32
          %swap3A_1016 = arith.index_cast %add3A_1015 : i32 to index
          %swap3A_1017 = tpu.vector_load %arg14[%swap3A_1016] {strides = array<i32>} : memref<1184xf32, #tpu.memory_space<vmem>>, vector<16xf32>,
          %swap3A_1018 = vector.shape_cast %swap3A_1017 : vector<16xf32> to vector<16xf32>
          %swap3A_1019 = vector.shape_cast %get3A_1009 : vector<16xf32> to vector<16xf32>
          tpu.vector_store %arg14[%swap3A_1016], %swap3A_1019 {strides = array<i32>} : memref<1184xf32, #tpu.memory_space<vmem>>, vector<16xf32>,
          %get3A_1020 = arith.constant 3 : i32
          %get3A_1021 = arith.index_cast %scan3A_108 : i32 to index
          %get3A_1022 = arith.index_cast %get3A_1020 : i32 to index
          %get3A_1023 = arith.constant 64 : index
          %get3A_1024 = tpu.vector_load %arg10[%get3A_1021, %get3A_1022, %get3A_1023] {strides = array<i32>} : memref<9x4x128xf32, #tpu.memory_space<vmem>>, vector<1x1x16xf32>,
          %get3A_1025 = vector.shape_cast %get3A_1024 : vector<1x1x16xf32> to vector<16xf32>
          %mul3A_1026 = arith.constant 128 : i32
          %mul3A_1027 = arith.muli %scan3A_108, %mul3A_1026 : i32
          %add3A_1028 = arith.constant 16 : i32
          %add3A_1029 = arith.addi %add3A_1028, %mul3A_1027 : i32
          %add3A_1030 = arith.constant 64 : i32
          %add3A_1031 = arith.addi %add3A_1029, %add3A_1030 : i32
          %swap3A_1032 = arith.index_cast %add3A_1031 : i32 to index
          %swap3A_1033 = tpu.vector_load %arg18[%swap3A_1032] {strides = array<i32>} : memref<1184xf32, #tpu.memory_space<vmem>>, vector<16xf32>,
          %swap3A_1034 = vector.shape_cast %swap3A_1033 : vector<16xf32> to vector<16xf32>
          %swap3A_1035 = vector.shape_cast %get3A_1025 : vector<16xf32> to vector<16xf32>
          tpu.vector_store %arg18[%swap3A_1032], %swap3A_1035 {strides = array<i32>} : memref<1184xf32, #tpu.memory_space<vmem>>, vector<16xf32>,
          %get3A_1036 = arith.constant 3 : i32
          %get3A_1037 = arith.index_cast %scan3A_108 : i32 to index
          %get3A_1038 = arith.index_cast %get3A_1036 : i32 to index
          %get3A_1039 = arith.constant 80 : index
          %get3A_1040 = tpu.vector_load %arg9[%get3A_1037, %get3A_1038, %get3A_1039] {strides = array<i32>} : memref<9x4x128xf32, #tpu.memory_space<vmem>>, vector<1x1x16xf32>,
          %get3A_1041 = vector.shape_cast %get3A_1040 : vector<1x1x16xf32> to vector<16xf32>
          %mul3A_1042 = arith.constant 128 : i32
          %mul3A_1043 = arith.muli %scan3A_108, %mul3A_1042 : i32
          %add3A_1044 = arith.constant 16 : i32
          %add3A_1045 = arith.addi %add3A_1044, %mul3A_1043 : i32
          %add3A_1046 = arith.constant 80 : i32
          %add3A_1047 = arith.addi %add3A_1045, %add3A_1046 : i32
          %swap3A_1048 = arith.index_cast %add3A_1047 : i32 to index
          %swap3A_1049 = tpu.vector_load %arg14[%swap3A_1048] {strides = array<i32>} : memref<1184xf32, #tpu.memory_space<vmem>>, vector<16xf32>,
          %swap3A_1050 = vector.shape_cast %swap3A_1049 : vector<16xf32> to vector<16xf32>
          %swap3A_1051 = vector.shape_cast %get3A_1041 : vector<16xf32> to vector<16xf32>
          tpu.vector_store %arg14[%swap3A_1048], %swap3A_1051 {strides = array<i32>} : memref<1184xf32, #tpu.memory_space<vmem>>, vector<16xf32>,
          %get3A_1052 = arith.constant 3 : i32
          %get3A_1053 = arith.index_cast %scan3A_108 : i32 to index
          %get3A_1054 = arith.index_cast %get3A_1052 : i32 to index
          %get3A_1055 = arith.constant 80 : index
          %get3A_1056 = tpu.vector_load %arg10[%get3A_1053, %get3A_1054, %get3A_1055] {strides = array<i32>} : memref<9x4x128xf32, #tpu.memory_space<vmem>>, vector<1x1x16xf32>,
          %get3A_1057 = vector.shape_cast %get3A_1056 : vector<1x1x16xf32> to vector<16xf32>
          %mul3A_1058 = arith.constant 128 : i32
          %mul3A_1059 = arith.muli %scan3A_108, %mul3A_1058 : i32
          %add3A_1060 = arith.constant 16 : i32
          %add3A_1061 = arith.addi %add3A_1060, %mul3A_1059 : i32
          %add3A_1062 = arith.constant 80 : i32
          %add3A_1063 = arith.addi %add3A_1061, %add3A_1062 : i32
          %swap3A_1064 = arith.index_cast %add3A_1063 : i32 to index
          %swap3A_1065 = tpu.vector_load %arg18[%swap3A_1064] {strides = array<i32>} : memref<1184xf32, #tpu.memory_space<vmem>>, vector<16xf32>,
          %swap3A_1066 = vector.shape_cast %swap3A_1065 : vector<16xf32> to vector<16xf32>
          %swap3A_1067 = vector.shape_cast %get3A_1057 : vector<16xf32> to vector<16xf32>
          tpu.vector_store %arg18[%swap3A_1064], %swap3A_1067 {strides = array<i32>} : memref<1184xf32, #tpu.memory_space<vmem>>, vector<16xf32>,
          %get3A_1068 = arith.constant 3 : i32
          %get3A_1069 = arith.index_cast %scan3A_108 : i32 to index
          %get3A_1070 = arith.index_cast %get3A_1068 : i32 to index
          %get3A_1071 = arith.constant 96 : index
          %get3A_1072 = tpu.vector_load %arg9[%get3A_1069, %get3A_1070, %get3A_1071] {strides = array<i32>} : memref<9x4x128xf32, #tpu.memory_space<vmem>>, vector<1x1x16xf32>,
          %get3A_1073 = vector.shape_cast %get3A_1072 : vector<1x1x16xf32> to vector<16xf32>
          %mul3A_1074 = arith.constant 128 : i32
          %mul3A_1075 = arith.muli %scan3A_108, %mul3A_1074 : i32
          %add3A_1076 = arith.constant 16 : i32
          %add3A_1077 = arith.addi %add3A_1076, %mul3A_1075 : i32
          %add3A_1078 = arith.constant 96 : i32
          %add3A_1079 = arith.addi %add3A_1077, %add3A_1078 : i32
          %swap3A_1080 = arith.index_cast %add3A_1079 : i32 to index
          %swap3A_1081 = tpu.vector_load %arg14[%swap3A_1080] {strides = array<i32>} : memref<1184xf32, #tpu.memory_space<vmem>>, vector<16xf32>,
          %swap3A_1082 = vector.shape_cast %swap3A_1081 : vector<16xf32> to vector<16xf32>
          %swap3A_1083 = vector.shape_cast %get3A_1073 : vector<16xf32> to vector<16xf32>
          tpu.vector_store %arg14[%swap3A_1080], %swap3A_1083 {strides = array<i32>} : memref<1184xf32, #tpu.memory_space<vmem>>, vector<16xf32>,
          %get3A_1084 = arith.constant 3 : i32
          %get3A_1085 = arith.index_cast %scan3A_108 : i32 to index
          %get3A_1086 = arith.index_cast %get3A_1084 : i32 to index
          %get3A_1087 = arith.constant 96 : index
          %get3A_1088 = tpu.vector_load %arg10[%get3A_1085, %get3A_1086, %get3A_1087] {strides = array<i32>} : memref<9x4x128xf32, #tpu.memory_space<vmem>>, vector<1x1x16xf32>,
          %get3A_1089 = vector.shape_cast %get3A_1088 : vector<1x1x16xf32> to vector<16xf32>
          %mul3A_1090 = arith.constant 128 : i32
          %mul3A_1091 = arith.muli %scan3A_108, %mul3A_1090 : i32
          %add3A_1092 = arith.constant 16 : i32
          %add3A_1093 = arith.addi %add3A_1092, %mul3A_1091 : i32
          %add3A_1094 = arith.constant 96 : i32
          %add3A_1095 = arith.addi %add3A_1093, %add3A_1094 : i32
          %swap3A_1096 = arith.index_cast %add3A_1095 : i32 to index
          %swap3A_1097 = tpu.vector_load %arg18[%swap3A_1096] {strides = array<i32>} : memref<1184xf32, #tpu.memory_space<vmem>>, vector<16xf32>,
          %swap3A_1098 = vector.shape_cast %swap3A_1097 : vector<16xf32> to vector<16xf32>
          %swap3A_1099 = vector.shape_cast %get3A_1089 : vector<16xf32> to vector<16xf32>
          tpu.vector_store %arg18[%swap3A_1096], %swap3A_1099 {strides = array<i32>} : memref<1184xf32, #tpu.memory_space<vmem>>, vector<16xf32>,
          %get3A_1100 = arith.constant 3 : i32
          %get3A_1101 = arith.index_cast %scan3A_108 : i32 to index
          %get3A_1102 = arith.index_cast %get3A_1100 : i32 to index
          %get3A_1103 = arith.constant 112 : index
          %get3A_1104 = tpu.vector_load %arg9[%get3A_1101, %get3A_1102, %get3A_1103] {strides = array<i32>} : memref<9x4x128xf32, #tpu.memory_space<vmem>>, vector<1x1x16xf32>,
          %get3A_1105 = vector.shape_cast %get3A_1104 : vector<1x1x16xf32> to vector<16xf32>
          %mul3A_1106 = arith.constant 128 : i32
          %mul3A_1107 = arith.muli %scan3A_108, %mul3A_1106 : i32
          %add3A_1108 = arith.constant 16 : i32
          %add3A_1109 = arith.addi %add3A_1108, %mul3A_1107 : i32
          %add3A_1110 = arith.constant 112 : i32
          %add3A_1111 = arith.addi %add3A_1109, %add3A_1110 : i32
          %swap3A_1112 = arith.index_cast %add3A_1111 : i32 to index
          %swap3A_1113 = tpu.vector_load %arg14[%swap3A_1112] {strides = array<i32>} : memref<1184xf32, #tpu.memory_space<vmem>>, vector<16xf32>,
          %swap3A_1114 = vector.shape_cast %swap3A_1113 : vector<16xf32> to vector<16xf32>
          %swap3A_1115 = vector.shape_cast %get3A_1105 : vector<16xf32> to vector<16xf32>
          tpu.vector_store %arg14[%swap3A_1112], %swap3A_1115 {strides = array<i32>} : memref<1184xf32, #tpu.memory_space<vmem>>, vector<16xf32>,
          %get3A_1116 = arith.constant 3 : i32
          %get3A_1117 = arith.index_cast %scan3A_108 : i32 to index
          %get3A_1118 = arith.index_cast %get3A_1116 : i32 to index
          %get3A_1119 = arith.constant 112 : index
          %get3A_1120 = tpu.vector_load %arg10[%get3A_1117, %get3A_1118, %get3A_1119] {strides = array<i32>} : memref<9x4x128xf32, #tpu.memory_space<vmem>>, vector<1x1x16xf32>,
          %get3A_1121 = vector.shape_cast %get3A_1120 : vector<1x1x16xf32> to vector<16xf32>
          %mul3A_1122 = arith.constant 128 : i32
          %mul3A_1123 = arith.muli %scan3A_108, %mul3A_1122 : i32
          %add3A_1124 = arith.constant 16 : i32
          %add3A_1125 = arith.addi %add3A_1124, %mul3A_1123 : i32
          %add3A_1126 = arith.constant 112 : i32
          %add3A_1127 = arith.addi %add3A_1125, %add3A_1126 : i32
          %swap3A_1128 = arith.index_cast %add3A_1127 : i32 to index
          %swap3A_1129 = tpu.vector_load %arg18[%swap3A_1128] {strides = array<i32>} : memref<1184xf32, #tpu.memory_space<vmem>>, vector<16xf32>,
          %swap3A_1130 = vector.shape_cast %swap3A_1129 : vector<16xf32> to vector<16xf32>
          %swap3A_1131 = vector.shape_cast %get3A_1121 : vector<16xf32> to vector<16xf32>
          tpu.vector_store %arg18[%swap3A_1128], %swap3A_1131 {strides = array<i32>} : memref<1184xf32, #tpu.memory_space<vmem>>, vector<16xf32>,
        }
        %scan3A_85 = arith.constant 9 : i32
        %sub3A_86 = arith.subi %mul3A_2, %squeeze3A : i32
        %mul3A_87 = arith.constant 128 : i32
        %mul3A_88 = arith.muli %min3A_55, %mul3A_87 : i32
        %sub3A_89 = arith.subi %sub3A_86, %mul3A_88 : i32
        %add3A_90 = arith.constant 16 : i32
        %add3A_91 = arith.addi %sub3A_89, %add3A_90 : i32
        %shift_right_logical3A_92 = arith.constant 4 : i32
        %shift_right_logical3A_93 = arith.shrui %max3A_47, %shift_right_logical3A_92 : i32
        %sub3A_94 = arith.constant 1 : i32
        %sub3A_95 = arith.subi %min3A_49, %sub3A_94 : i32
        %shift_right_logical3A_96 = arith.constant 4 : i32
        %shift_right_logical3A_97 = arith.shrui %sub3A_95, %shift_right_logical3A_96 : i32
        %add3A_98 = arith.constant 1 : i32
        %add3A_99 = arith.addi %shift_right_logical3A_97, %add3A_98 : i32
        %while3A = arith.constant 0 : i32
        %while3A_100 = arith.subi %add3A_99, %shift_right_logical3A_93 : i32
        %while3A_101 = arith.addi %shift_right_logical3A_93, %while3A_100 : i32
        %while3A_102 = arith.constant 1 : i32
        %while3A_103 = arith.divsi %while3A_100, %while3A_102 : i32
        %while3A_104 = arith.muli %while3A_103, %while3A_102 : i32
        %while3A_105 = arith.addi %shift_right_logical3A_93, %while3A_104 : i32
        %while3A_106 = arith.constant 1 : i32
        scf.for %while3A_108 = %shift_right_logical3A_93 to %while3A_105 step %while3A_106  : i32 {
          %mul3A_109 = arith.constant 16 : i32
          %mul3A_110 = arith.muli %while3A_108, %mul3A_109 : i32
          %shift_right_logical3A_111 = arith.constant 7 : i32
          %shift_right_logical3A_112 = arith.shrui %mul3A_110, %shift_right_logical3A_111 : i32
          %and3A_113 = arith.constant 127 : i32
          %and3A_114 = arith.andi %mul3A_110, %and3A_113 : i32
          %add3A_115 = vector.broadcast %mul3A_110 : i32 to vector<16xi32>
          %add3A_116 = arith.addi %iota3A, %add3A_115 : vector<16xi32>
          %ge3A = vector.broadcast %max3A_47 : i32 to vector<16xi32>
          %ge3A_117 = arith.cmpi sge, %add3A_116, %ge3A : vector<16xi32>
          %lt3A_118 = vector.broadcast %min3A_49 : i32 to vector<16xi32>
          %lt3A_119 = arith.cmpi slt, %add3A_116, %lt3A_118 : vector<16xi32>
          %and3A_120 = arith.andi %ge3A_117, %lt3A_119 : vector<16xi1>
          %add3A_121 = arith.addi %mul3A_110, %add3A_91 : i32
          %get3A_122 = arith.constant 0 : i32
          %get3A_123 = arith.index_cast %shift_right_logical3A_112 : i32 to index
          %get3A_124 = arith.index_cast %get3A_122 : i32 to index
          %get3A_125 = arith.index_cast %and3A_114 : i32 to index
          %get3A_126 = tpu.vector_load %arg8[%get3A_123, %get3A_124, %get3A_125] {strides = array<i32>} : memref<8x4x128xf32, #tpu.memory_space<vmem>>, vector<1x1x16xf32>,
          %get3A_127 = vector.shape_cast %get3A_126 : vector<1x1x16xf32> to vector<16xf32>
          %get3A_128 = arith.index_cast %add3A_121 : i32 to index
          %get3A_129 = tpu.vector_load %arg11[%get3A_128] {strides = array<i32>} : memref<1184xf32, #tpu.memory_space<vmem>>, vector<16xf32>,
          %get3A_130 = vector.shape_cast %get3A_129 : vector<16xf32> to vector<16xf32>
          %get3A_131 = arith.index_cast %add3A_121 : i32 to index
          %get3A_132 = tpu.vector_load %arg15[%get3A_131] {strides = array<i32>} : memref<1184xf32, #tpu.memory_space<vmem>>, vector<16xf32>,
          %get3A_133 = vector.shape_cast %get3A_132 : vector<16xf32> to vector<16xf32>
          %sub3A_134 = arith.subf %get3A_127, %get3A_130 : vector<16xf32>
          %div3A = arith.divf %sub3A_134, %get3A_133 : vector<16xf32>
          %select_n3A = arith.select %and3A_120, %div3A, %get3A_127 : vector<16xi1>, vector<16xf32>
          %swap3A = arith.constant 0 : i32
          %swap3A_135 = arith.index_cast %shift_right_logical3A_112 : i32 to index
          %swap3A_136 = arith.index_cast %swap3A : i32 to index
          %swap3A_137 = arith.index_cast %and3A_114 : i32 to index
          %swap3A_138 = tpu.vector_load %arg8[%swap3A_135, %swap3A_136, %swap3A_137] {strides = array<i32>} : memref<8x4x128xf32, #tpu.memory_space<vmem>>, vector<1x1x16xf32>,
          %swap3A_139 = vector.shape_cast %swap3A_138 : vector<1x1x16xf32> to vector<16xf32>
          %swap3A_140 = vector.shape_cast %select_n3A : vector<16xf32> to vector<1x1x16xf32>
          tpu.vector_store %arg8[%swap3A_135, %swap3A_136, %swap3A_137], %swap3A_140 {strides = array<i32>} : memref<8x4x128xf32, #tpu.memory_space<vmem>>, vector<1x1x16xf32>,
          %get3A_141 = arith.constant 1 : i32
          %get3A_142 = arith.index_cast %shift_right_logical3A_112 : i32 to index
          %get3A_143 = arith.index_cast %get3A_141 : i32 to index
          %get3A_144 = arith.index_cast %and3A_114 : i32 to index
          %get3A_145 = tpu.vector_load %arg8[%get3A_142, %get3A_143, %get3A_144] {strides = array<i32>} : memref<8x4x128xf32, #tpu.memory_space<vmem>>, vector<1x1x16xf32>,
          %get3A_146 = vector.shape_cast %get3A_145 : vector<1x1x16xf32> to vector<16xf32>
          %get3A_147 = arith.index_cast %add3A_121 : i32 to index
          %get3A_148 = tpu.vector_load %arg12[%get3A_147] {strides = array<i32>} : memref<1184xf32, #tpu.memory_space<vmem>>, vector<16xf32>,
          %get3A_149 = vector.shape_cast %get3A_148 : vector<16xf32> to vector<16xf32>
          %get3A_150 = arith.index_cast %add3A_121 : i32 to index
          %get3A_151 = tpu.vector_load %arg16[%get3A_150] {strides = array<i32>} : memref<1184xf32, #tpu.memory_space<vmem>>, vector<16xf32>,
          %get3A_152 = vector.shape_cast %get3A_151 : vector<16xf32> to vector<16xf32>
          %sub3A_153 = arith.subf %get3A_146, %get3A_149 : vector<16xf32>
          %div3A_154 = arith.divf %sub3A_153, %get3A_152 : vector<16xf32>
          %select_n3A_155 = arith.select %and3A_120, %div3A_154, %get3A_146 : vector<16xi1>, vector<16xf32>
          %swap3A_156 = arith.constant 1 : i32
          %swap3A_157 = arith.index_cast %shift_right_logical3A_112 : i32 to index
          %swap3A_158 = arith.index_cast %swap3A_156 : i32 to index
          %swap3A_159 = arith.index_cast %and3A_114 : i32 to index
          %swap3A_160 = tpu.vector_load %arg8[%swap3A_157, %swap3A_158, %swap3A_159] {strides = array<i32>} : memref<8x4x128xf32, #tpu.memory_space<vmem>>, vector<1x1x16xf32>,
          %swap3A_161 = vector.shape_cast %swap3A_160 : vector<1x1x16xf32> to vector<16xf32>
          %swap3A_162 = vector.shape_cast %select_n3A_155 : vector<16xf32> to vector<1x1x16xf32>
          tpu.vector_store %arg8[%swap3A_157, %swap3A_158, %swap3A_159], %swap3A_162 {strides = array<i32>} : memref<8x4x128xf32, #tpu.memory_space<vmem>>, vector<1x1x16xf32>,
          %get3A_163 = arith.constant 2 : i32
          %get3A_164 = arith.index_cast %shift_right_logical3A_112 : i32 to index
          %get3A_165 = arith.index_cast %get3A_163 : i32 to index
          %get3A_166 = arith.index_cast %and3A_114 : i32 to index
          %get3A_167 = tpu.vector_load %arg8[%get3A_164, %get3A_165, %get3A_166] {strides = array<i32>} : memref<8x4x128xf32, #tpu.memory_space<vmem>>, vector<1x1x16xf32>,
          %get3A_168 = vector.shape_cast %get3A_167 : vector<1x1x16xf32> to vector<16xf32>
          %get3A_169 = arith.index_cast %add3A_121 : i32 to index
          %get3A_170 = tpu.vector_load %arg13[%get3A_169] {strides = array<i32>} : memref<1184xf32, #tpu.memory_space<vmem>>, vector<16xf32>,
          %get3A_171 = vector.shape_cast %get3A_170 : vector<16xf32> to vector<16xf32>
          %get3A_172 = arith.index_cast %add3A_121 : i32 to index
          %get3A_173 = tpu.vector_load %arg17[%get3A_172] {strides = array<i32>} : memref<1184xf32, #tpu.memory_space<vmem>>, vector<16xf32>,
          %get3A_174 = vector.shape_cast %get3A_173 : vector<16xf32> to vector<16xf32>
          %sub3A_175 = arith.subf %get3A_168, %get3A_171 : vector<16xf32>
          %div3A_176 = arith.divf %sub3A_175, %get3A_174 : vector<16xf32>
          %select_n3A_177 = arith.select %and3A_120, %div3A_176, %get3A_168 : vector<16xi1>, vector<16xf32>
          %swap3A_178 = arith.constant 2 : i32
          %swap3A_179 = arith.index_cast %shift_right_logical3A_112 : i32 to index
          %swap3A_180 = arith.index_cast %swap3A_178 : i32 to index
          %swap3A_181 = arith.index_cast %and3A_114 : i32 to index
          %swap3A_182 = tpu.vector_load %arg8[%swap3A_179, %swap3A_180, %swap3A_181] {strides = array<i32>} : memref<8x4x128xf32, #tpu.memory_space<vmem>>, vector<1x1x16xf32>,
          %swap3A_183 = vector.shape_cast %swap3A_182 : vector<1x1x16xf32> to vector<16xf32>
          %swap3A_184 = vector.shape_cast %select_n3A_177 : vector<16xf32> to vector<1x1x16xf32>
          tpu.vector_store %arg8[%swap3A_179, %swap3A_180, %swap3A_181], %swap3A_184 {strides = array<i32>} : memref<8x4x128xf32, #tpu.memory_space<vmem>>, vector<1x1x16xf32>,
          %get3A_185 = arith.constant 3 : i32
          %get3A_186 = arith.index_cast %shift_right_logical3A_112 : i32 to index
          %get3A_187 = arith.index_cast %get3A_185 : i32 to index
          %get3A_188 = arith.index_cast %and3A_114 : i32 to index
          %get3A_189 = tpu.vector_load %arg8[%get3A_186, %get3A_187, %get3A_188] {strides = array<i32>} : memref<8x4x128xf32, #tpu.memory_space<vmem>>, vector<1x1x16xf32>,
          %get3A_190 = vector.shape_cast %get3A_189 : vector<1x1x16xf32> to vector<16xf32>
          %get3A_191 = arith.index_cast %add3A_121 : i32 to index
          %get3A_192 = tpu.vector_load %arg14[%get3A_191] {strides = array<i32>} : memref<1184xf32, #tpu.memory_space<vmem>>, vector<16xf32>,
          %get3A_193 = vector.shape_cast %get3A_192 : vector<16xf32> to vector<16xf32>
          %get3A_194 = arith.index_cast %add3A_121 : i32 to index
          %get3A_195 = tpu.vector_load %arg18[%get3A_194] {strides = array<i32>} : memref<1184xf32, #tpu.memory_space<vmem>>, vector<16xf32>,
          %get3A_196 = vector.shape_cast %get3A_195 : vector<16xf32> to vector<16xf32>
          %sub3A_197 = arith.subf %get3A_190, %get3A_193 : vector<16xf32>
          %div3A_198 = arith.divf %sub3A_197, %get3A_196 : vector<16xf32>
          %select_n3A_199 = arith.select %and3A_120, %div3A_198, %get3A_190 : vector<16xi1>, vector<16xf32>
          %swap3A_200 = arith.constant 3 : i32
          %swap3A_201 = arith.index_cast %shift_right_logical3A_112 : i32 to index
          %swap3A_202 = arith.index_cast %swap3A_200 : i32 to index
          %swap3A_203 = arith.index_cast %and3A_114 : i32 to index
          %swap3A_204 = tpu.vector_load %arg8[%swap3A_201, %swap3A_202, %swap3A_203] {strides = array<i32>} : memref<8x4x128xf32, #tpu.memory_space<vmem>>, vector<1x1x16xf32>,
          %swap3A_205 = vector.shape_cast %swap3A_204 : vector<1x1x16xf32> to vector<16xf32>
          %swap3A_206 = vector.shape_cast %select_n3A_199 : vector<16xf32> to vector<1x1x16xf32>
          tpu.vector_store %arg8[%swap3A_201, %swap3A_202, %swap3A_203], %swap3A_206 {strides = array<i32>} : memref<8x4x128xf32, #tpu.memory_space<vmem>>, vector<1x1x16xf32>,
        }
        %while3A_107 = arith.constant 1 : i32
        scf.for %while3A_108 = %while3A_105 to %while3A_101 step %while3A_107  : i32 {
          %mul3A_109 = arith.constant 16 : i32
          %mul3A_110 = arith.muli %while3A_108, %mul3A_109 : i32
          %shift_right_logical3A_111 = arith.constant 7 : i32
          %shift_right_logical3A_112 = arith.shrui %mul3A_110, %shift_right_logical3A_111 : i32
          %and3A_113 = arith.constant 127 : i32
          %and3A_114 = arith.andi %mul3A_110, %and3A_113 : i32
          %add3A_115 = vector.broadcast %mul3A_110 : i32 to vector<16xi32>
          %add3A_116 = arith.addi %iota3A, %add3A_115 : vector<16xi32>
          %ge3A = vector.broadcast %max3A_47 : i32 to vector<16xi32>
          %ge3A_117 = arith.cmpi sge, %add3A_116, %ge3A : vector<16xi32>
          %lt3A_118 = vector.broadcast %min3A_49 : i32 to vector<16xi32>
          %lt3A_119 = arith.cmpi slt, %add3A_116, %lt3A_118 : vector<16xi32>
          %and3A_120 = arith.andi %ge3A_117, %lt3A_119 : vector<16xi1>
          %add3A_121 = arith.addi %mul3A_110, %add3A_91 : i32
          %get3A_122 = arith.constant 0 : i32
          %get3A_123 = arith.index_cast %shift_right_logical3A_112 : i32 to index
          %get3A_124 = arith.index_cast %get3A_122 : i32 to index
          %get3A_125 = arith.index_cast %and3A_114 : i32 to index
          %get3A_126 = tpu.vector_load %arg8[%get3A_123, %get3A_124, %get3A_125] {strides = array<i32>} : memref<8x4x128xf32, #tpu.memory_space<vmem>>, vector<1x1x16xf32>,
          %get3A_127 = vector.shape_cast %get3A_126 : vector<1x1x16xf32> to vector<16xf32>
          %get3A_128 = arith.index_cast %add3A_121 : i32 to index
          %get3A_129 = tpu.vector_load %arg11[%get3A_128] {strides = array<i32>} : memref<1184xf32, #tpu.memory_space<vmem>>, vector<16xf32>,
          %get3A_130 = vector.shape_cast %get3A_129 : vector<16xf32> to vector<16xf32>
          %get3A_131 = arith.index_cast %add3A_121 : i32 to index
          %get3A_132 = tpu.vector_load %arg15[%get3A_131] {strides = array<i32>} : memref<1184xf32, #tpu.memory_space<vmem>>, vector<16xf32>,
          %get3A_133 = vector.shape_cast %get3A_132 : vector<16xf32> to vector<16xf32>
          %sub3A_134 = arith.subf %get3A_127, %get3A_130 : vector<16xf32>
          %div3A = arith.divf %sub3A_134, %get3A_133 : vector<16xf32>
          %select_n3A = arith.select %and3A_120, %div3A, %get3A_127 : vector<16xi1>, vector<16xf32>
          %swap3A = arith.constant 0 : i32
          %swap3A_135 = arith.index_cast %shift_right_logical3A_112 : i32 to index
          %swap3A_136 = arith.index_cast %swap3A : i32 to index
          %swap3A_137 = arith.index_cast %and3A_114 : i32 to index
          %swap3A_138 = tpu.vector_load %arg8[%swap3A_135, %swap3A_136, %swap3A_137] {strides = array<i32>} : memref<8x4x128xf32, #tpu.memory_space<vmem>>, vector<1x1x16xf32>,
          %swap3A_139 = vector.shape_cast %swap3A_138 : vector<1x1x16xf32> to vector<16xf32>
          %swap3A_140 = vector.shape_cast %select_n3A : vector<16xf32> to vector<1x1x16xf32>
          tpu.vector_store %arg8[%swap3A_135, %swap3A_136, %swap3A_137], %swap3A_140 {strides = array<i32>} : memref<8x4x128xf32, #tpu.memory_space<vmem>>, vector<1x1x16xf32>,
          %get3A_141 = arith.constant 1 : i32
          %get3A_142 = arith.index_cast %shift_right_logical3A_112 : i32 to index
          %get3A_143 = arith.index_cast %get3A_141 : i32 to index
          %get3A_144 = arith.index_cast %and3A_114 : i32 to index
          %get3A_145 = tpu.vector_load %arg8[%get3A_142, %get3A_143, %get3A_144] {strides = array<i32>} : memref<8x4x128xf32, #tpu.memory_space<vmem>>, vector<1x1x16xf32>,
          %get3A_146 = vector.shape_cast %get3A_145 : vector<1x1x16xf32> to vector<16xf32>
          %get3A_147 = arith.index_cast %add3A_121 : i32 to index
          %get3A_148 = tpu.vector_load %arg12[%get3A_147] {strides = array<i32>} : memref<1184xf32, #tpu.memory_space<vmem>>, vector<16xf32>,
          %get3A_149 = vector.shape_cast %get3A_148 : vector<16xf32> to vector<16xf32>
          %get3A_150 = arith.index_cast %add3A_121 : i32 to index
          %get3A_151 = tpu.vector_load %arg16[%get3A_150] {strides = array<i32>} : memref<1184xf32, #tpu.memory_space<vmem>>, vector<16xf32>,
          %get3A_152 = vector.shape_cast %get3A_151 : vector<16xf32> to vector<16xf32>
          %sub3A_153 = arith.subf %get3A_146, %get3A_149 : vector<16xf32>
          %div3A_154 = arith.divf %sub3A_153, %get3A_152 : vector<16xf32>
          %select_n3A_155 = arith.select %and3A_120, %div3A_154, %get3A_146 : vector<16xi1>, vector<16xf32>
          %swap3A_156 = arith.constant 1 : i32
          %swap3A_157 = arith.index_cast %shift_right_logical3A_112 : i32 to index
          %swap3A_158 = arith.index_cast %swap3A_156 : i32 to index
          %swap3A_159 = arith.index_cast %and3A_114 : i32 to index
          %swap3A_160 = tpu.vector_load %arg8[%swap3A_157, %swap3A_158, %swap3A_159] {strides = array<i32>} : memref<8x4x128xf32, #tpu.memory_space<vmem>>, vector<1x1x16xf32>,
          %swap3A_161 = vector.shape_cast %swap3A_160 : vector<1x1x16xf32> to vector<16xf32>
          %swap3A_162 = vector.shape_cast %select_n3A_155 : vector<16xf32> to vector<1x1x16xf32>
          tpu.vector_store %arg8[%swap3A_157, %swap3A_158, %swap3A_159], %swap3A_162 {strides = array<i32>} : memref<8x4x128xf32, #tpu.memory_space<vmem>>, vector<1x1x16xf32>,
          %get3A_163 = arith.constant 2 : i32
          %get3A_164 = arith.index_cast %shift_right_logical3A_112 : i32 to index
          %get3A_165 = arith.index_cast %get3A_163 : i32 to index
          %get3A_166 = arith.index_cast %and3A_114 : i32 to index
          %get3A_167 = tpu.vector_load %arg8[%get3A_164, %get3A_165, %get3A_166] {strides = array<i32>} : memref<8x4x128xf32, #tpu.memory_space<vmem>>, vector<1x1x16xf32>,
          %get3A_168 = vector.shape_cast %get3A_167 : vector<1x1x16xf32> to vector<16xf32>
          %get3A_169 = arith.index_cast %add3A_121 : i32 to index
          %get3A_170 = tpu.vector_load %arg13[%get3A_169] {strides = array<i32>} : memref<1184xf32, #tpu.memory_space<vmem>>, vector<16xf32>,
          %get3A_171 = vector.shape_cast %get3A_170 : vector<16xf32> to vector<16xf32>
          %get3A_172 = arith.index_cast %add3A_121 : i32 to index
          %get3A_173 = tpu.vector_load %arg17[%get3A_172] {strides = array<i32>} : memref<1184xf32, #tpu.memory_space<vmem>>, vector<16xf32>,
          %get3A_174 = vector.shape_cast %get3A_173 : vector<16xf32> to vector<16xf32>
          %sub3A_175 = arith.subf %get3A_168, %get3A_171 : vector<16xf32>
          %div3A_176 = arith.divf %sub3A_175, %get3A_174 : vector<16xf32>
          %select_n3A_177 = arith.select %and3A_120, %div3A_176, %get3A_168 : vector<16xi1>, vector<16xf32>
          %swap3A_178 = arith.constant 2 : i32
          %swap3A_179 = arith.index_cast %shift_right_logical3A_112 : i32 to index
          %swap3A_180 = arith.index_cast %swap3A_178 : i32 to index
          %swap3A_181 = arith.index_cast %and3A_114 : i32 to index
          %swap3A_182 = tpu.vector_load %arg8[%swap3A_179, %swap3A_180, %swap3A_181] {strides = array<i32>} : memref<8x4x128xf32, #tpu.memory_space<vmem>>, vector<1x1x16xf32>,
          %swap3A_183 = vector.shape_cast %swap3A_182 : vector<1x1x16xf32> to vector<16xf32>
          %swap3A_184 = vector.shape_cast %select_n3A_177 : vector<16xf32> to vector<1x1x16xf32>
          tpu.vector_store %arg8[%swap3A_179, %swap3A_180, %swap3A_181], %swap3A_184 {strides = array<i32>} : memref<8x4x128xf32, #tpu.memory_space<vmem>>, vector<1x1x16xf32>,
          %get3A_185 = arith.constant 3 : i32
          %get3A_186 = arith.index_cast %shift_right_logical3A_112 : i32 to index
          %get3A_187 = arith.index_cast %get3A_185 : i32 to index
          %get3A_188 = arith.index_cast %and3A_114 : i32 to index
          %get3A_189 = tpu.vector_load %arg8[%get3A_186, %get3A_187, %get3A_188] {strides = array<i32>} : memref<8x4x128xf32, #tpu.memory_space<vmem>>, vector<1x1x16xf32>,
          %get3A_190 = vector.shape_cast %get3A_189 : vector<1x1x16xf32> to vector<16xf32>
          %get3A_191 = arith.index_cast %add3A_121 : i32 to index
          %get3A_192 = tpu.vector_load %arg14[%get3A_191] {strides = array<i32>} : memref<1184xf32, #tpu.memory_space<vmem>>, vector<16xf32>,
          %get3A_193 = vector.shape_cast %get3A_192 : vector<16xf32> to vector<16xf32>
          %get3A_194 = arith.index_cast %add3A_121 : i32 to index
          %get3A_195 = tpu.vector_load %arg18[%get3A_194] {strides = array<i32>} : memref<1184xf32, #tpu.memory_space<vmem>>, vector<16xf32>,
          %get3A_196 = vector.shape_cast %get3A_195 : vector<16xf32> to vector<16xf32>
          %sub3A_197 = arith.subf %get3A_190, %get3A_193 : vector<16xf32>
          %div3A_198 = arith.divf %sub3A_197, %get3A_196 : vector<16xf32>
          %select_n3A_199 = arith.select %and3A_120, %div3A_198, %get3A_190 : vector<16xi1>, vector<16xf32>
          %swap3A_200 = arith.constant 3 : i32
          %swap3A_201 = arith.index_cast %shift_right_logical3A_112 : i32 to index
          %swap3A_202 = arith.index_cast %swap3A_200 : i32 to index
          %swap3A_203 = arith.index_cast %and3A_114 : i32 to index
          %swap3A_204 = tpu.vector_load %arg8[%swap3A_201, %swap3A_202, %swap3A_203] {strides = array<i32>} : memref<8x4x128xf32, #tpu.memory_space<vmem>>, vector<1x1x16xf32>,
          %swap3A_205 = vector.shape_cast %swap3A_204 : vector<1x1x16xf32> to vector<16xf32>
          %swap3A_206 = vector.shape_cast %select_n3A_199 : vector<16xf32> to vector<1x1x16xf32>
          tpu.vector_store %arg8[%swap3A_201, %swap3A_202, %swap3A_203], %swap3A_206 {strides = array<i32>} : memref<8x4x128xf32, #tpu.memory_space<vmem>>, vector<1x1x16xf32>,
        }
      } else {
      }
    }
    %scan3A_19 = arith.constant 16 : i32
    %dma_start3A_20 = arith.constant 0 : i32
    %dma_start3A_21 = arith.constant 0 : i32
    %dma_start3A_22 = tpu.memref_slice %arg6[%mul3A_4, %dma_start3A_20, %dma_start3A_21] : memref<256x4x128xf32, #tpu.memory_space<hbm>> -> memref<8x4x128xf32, #tpu.memory_space<hbm>>
    %dma_start3A_23 = arith.constant 0 : i32
    %dma_start3A_24 = arith.constant 0 : i32
    %dma_start3A_25 = tpu.memref_slice %arg6[%mul3A_4, %dma_start3A_23, %dma_start3A_24] : memref<256x4x128xf32, #tpu.memory_space<hbm>> -> memref<8x4x128xf32, #tpu.memory_space<hbm>>
    tpu.enqueue_dma source(%arg8 : memref<8x4x128xf32, #tpu.memory_space<vmem>>) target(%dma_start3A_25 : memref<8x4x128xf32, #tpu.memory_space<hbm>>) target_semaphore(%arg19 : memref<!tpu.dma_semaphore, #tpu.memory_space<semaphore_mem>>)
    %dma_wait3A_26 = arith.constant 0 : i32
    %dma_wait3A_27 = arith.constant 0 : i32
    %dma_wait3A_28 = tpu.memref_slice %arg6[%mul3A_4, %dma_wait3A_26, %dma_wait3A_27] : memref<256x4x128xf32, #tpu.memory_space<hbm>> -> memref<8x4x128xf32, #tpu.memory_space<hbm>>
    %dma_wait3A_29 = arith.constant 0 : i32
    %dma_wait3A_30 = arith.constant 0 : i32
    %dma_wait3A_31 = tpu.memref_slice %arg6[%mul3A_4, %dma_wait3A_29, %dma_wait3A_30] : memref<256x4x128xf32, #tpu.memory_space<hbm>> -> memref<8x4x128xf32, #tpu.memory_space<hbm>>
    tpu.wait_dma2 semaphore(%arg19 : memref<!tpu.dma_semaphore, #tpu.memory_space<semaphore_mem>>) src(%arg8 : memref<8x4x128xf32, #tpu.memory_space<vmem>>) dst(%dma_wait3A_31 : memref<8x4x128xf32, #tpu.memory_space<hbm>>)
    return
  }
}

</mosaic_0001>

<sc_bundles>
// kernel: kernel.3.cloned.1.call-start
scs
__scs_entry_jumppad:
0x0: {  	(pc) =	sbr.rel $0x88, $3  }
0x1: {  	(tag) =	ssettag $0x0;
	lr =	simm.s32 $0x1  }
0x2: {  	[smem:$0x3F9D] =	sst lr;
	_ =	strace $0xD0000000  }
0x3: {  	_ = 	snop  }
0x4: {  	_ = 	snop  }
0x5: {  	_ = 	snop  }
0x6: {  	_ = 	snop  }
0x7: {  	_ = 	snop  }
__scs_overlays_trampoline_lowered:
0x8: {  	[smem:$0x3FAC] =	sst s0  }
0x9: {  	[smem:$0x3FAD] =	sst s1  }
0xa: {  	[smem:$0x3FAE] =	sst s2  }
0xb: {  	[smem:$0x3FAF] =	sst s3  }
0xc: {  	[smem:$0x3FB0] =	sst s4  }
0xd: {  	[smem:$0x3FB1] =	sst s5  }
0xe: {  	[smem:$0x3FB2] =	sst s6  }
0xf: {  	[smem:$0x3FB3] =	sst s7  }
0x10: {  	[smem:$0x3FB4] =	sst s8  }
0x11: {  	[smem:$0x3FB5] =	sst s9;
	s0 =	simm.s32 @!p0 $0x0  }
0x12: {  	s1 =	sld [smem:$0x3F9B];
	s0 =	simm.s32 @p0 $0x1  }
0x13: {  	[smem:$0x3FB6] =	sst s0;
	s0 =	simm.s32 @!p1 $0x0  }
0x14: {  	s2 =	sld [smem:$0x3F9A];
	s0 =	simm.s32 @p1 $0x1  }
0x15: {  	[smem:$0x3FB7] =	sst s0;
	s0 =	simm.s32 @!p2 $0x0  }
0x16: {  	s3 =	sld [smem:$0x3FDB];
	s0 =	simm.s32 @p2 $0x1  }
0x17: {  	s4 =	simm.s32 $0x1BF5;
	[smem:$0x3FB9] =	sst s0  }
0x18: {  	s0 =	sld [smem:$0x3F9C];
	_ =	swait.ge [sflag:s4], $0x0  }
0x19: {  	s7 =	sld [smem:$0x3F9D]  }
0x1a: {  	s8 =	sadd.s32 $0xFFFFE003, lr  }
0x1b: {  	s9 =	sadd.s32 $0xFFFFFEF7, lr;
	s5 =	simm.s32 $0xFFFFFFFF;
	p2 =	slt.u32 s8, $0xFFFFF086  }
0x1c: {  	p1 =	slt.u32 s9, $0xF7A;
	s5 =	simm.s32 @!p2 $0x0  }
0x1d: {  	s5 =	simm.s32 @p1 $0x1;
	p0 =	seq.s32 s7, s2  }
0x1e: {  	s7 =	smul.u32 @!p0 $0xF7A, s2;
	p2 =	seq.s32 @!p0 s5, $0x0  }
0x1f: {  	s9 =	smul.u32 $0xF7A, s1;
	s8 =	simm.s32 @!p0 $0x1BF5;
	p2 =	por !p2, p0  }
0x20: {  	[sflag:s8] =	ssyncset.s32 @!p0 $0xFFFFF086;
	s6 =	sadd.s32 @!p0 s3, s7;
	s7 =	simm.s32 @!p0 $0x108  }
0x21: {  	s3 =	sadd.s32 s3, s9;
	s6 =	sadd.s32 @!p0 $0x88, s6;
	s7 =	simm.s32 @p2 $0x1082  }
0x22: {  	[simem:s7], [sflag:s8] =	dma.local @!p0 [hbm:s6], $0xF7A  }
0x23: {  	s9 =	sor.u32 $0xD0000000, s2;
	s6 =	simm.s32 $0x108;
	_ =	swait.ge @!p0 [sflag:s8], $0x0  }
0x24: {  	s3 =	sadd.s32 $0x88, s3;
	s6 =	simm.s32 @!p1 $0x1082;
	[sflag:s4] =	ssyncset.s32 $0xFFFFF086  }
0x25: {  	[simem:s6], [sflag:s4] =	dma.local [hbm:s3], $0xF7A  }
0x26: {  	[smem:$0x3F9D] =	sst s1;
	(tag) =	ssettag s2;
	_ =	strace s9  }
0x27: {  	s1 =	sld [smem:$0x3FAD]  }
0x28: {  	s2 =	sld [smem:$0x3FAE]  }
0x29: {  	s4 =	sld [smem:$0x3FB0]  }
0x2a: {  	p0 =	seq.s32 s5, $0x0;
	s5 =	sld [smem:$0x3FB1]  }
0x2b: {  	s6 =	sld [smem:$0x3FB2]  }
0x2c: {  	s7 =	sld [smem:$0x3FB3]  }
0x2d: {  	s3 =	simm.s32 $0x108;
	s8 =	sld [smem:$0x3FB4]  }
0x2e: {  	s3 =	simm.s32 @!p0 $0x1082;
	s9 =	sld [smem:$0x3FB5]  }
0x2f: {  	lr =	sadd.s32 s0, s3;
	s0 =	sld [smem:$0x3FAC]  }
0x30: {  	s3 =	sld [smem:$0x3FAF]  }
0x31: {  	[smem:$0x3FB8] =	sst s10  }
0x32: {  	s10 =	sld [smem:$0x3FB6];
	_ =	sdelay $0x3  }
0x33: {  	p0 =	seq.s32 s10, $0x1;
	s10 =	sld [smem:$0x3FB8];
	_ =	sdelay $0x3  }
0x34: {  	[smem:$0x3FB8] =	sst s10  }
0x35: {  	s10 =	sld [smem:$0x3FB7];
	_ =	sdelay $0x3  }
0x36: {  	p1 =	seq.s32 s10, $0x1;
	s10 =	sld [smem:$0x3FB8];
	_ =	sdelay $0x3  }
0x37: {  	[smem:$0x3FB8] =	sst s10  }
0x38: {  	s10 =	sld [smem:$0x3FB9]  }
0x39: {  	_ = 	snop;
	(pc) =	sbr.ind lr, $3  }
0x3a: {  	_ = 	snop  }
0x3b: {  	_ = 	snop  }
0x3c: {  	p2 =	seq.s32 s10, $0x1;
	s10 =	sld [smem:$0x3FB8]  }
0x3d: {  	_ =	shalt  }
0x3e: {  	_ =	shalt  }
0x3f: {  	_ =	shalt  }
0x40: {  	_ =	shalt  }
0x41: {  	_ =	shalt  }
0x42: {  	_ =	shalt  }
0x43: {  	_ =	shalt  }
0x44: {  	_ =	shalt  }
0x45: {  	_ =	shalt  }
0x46: {  	_ =	shalt  }
0x47: {  	_ =	shalt  }
0x48: {  	_ =	shalt  }
0x49: {  	_ =	shalt  }
0x4a: {  	_ =	shalt  }
0x4b: {  	_ =	shalt  }
0x4c: {  	_ =	shalt  }
0x4d: {  	_ =	shalt  }
0x4e: {  	_ =	shalt  }
0x4f: {  	_ =	shalt  }
0x50: {  	_ =	shalt  }
0x51: {  	_ =	shalt  }
0x52: {  	_ =	shalt  }
0x53: {  	_ =	shalt  }
0x54: {  	_ =	shalt  }
0x55: {  	_ =	shalt  }
0x56: {  	_ =	shalt  }
0x57: {  	_ =	shalt  }
0x58: {  	_ =	shalt  }
0x59: {  	_ =	shalt  }
0x5a: {  	_ =	shalt  }
0x5b: {  	_ =	shalt  }
0x5c: {  	_ =	shalt  }
0x5d: {  	_ =	shalt  }
0x5e: {  	_ =	shalt  }
0x5f: {  	_ =	shalt  }
0x60: {  	_ =	shalt  }
0x61: {  	_ =	shalt  }
0x62: {  	_ =	shalt  }
0x63: {  	_ =	shalt  }
0x64: {  	_ =	shalt  }
0x65: {  	_ =	shalt  }
0x66: {  	_ =	shalt  }
0x67: {  	_ =	shalt  }
0x68: {  	_ =	shalt  }
0x69: {  	_ =	shalt  }
0x6a: {  	_ =	shalt  }
0x6b: {  	_ =	shalt  }
0x6c: {  	_ =	shalt  }
0x6d: {  	_ =	shalt  }
0x6e: {  	_ =	shalt  }
0x6f: {  	_ =	shalt  }
0x70: {  	_ =	shalt  }
0x71: {  	_ =	shalt  }
0x72: {  	_ =	shalt  }
0x73: {  	_ =	shalt  }
0x74: {  	_ =	shalt  }
0x75: {  	_ =	shalt  }
0x76: {  	_ =	shalt  }
0x77: {  	_ =	shalt  }
0x78: {  	_ =	shalt  }
0x79: {  	_ =	shalt  }
0x7a: {  	_ =	shalt  }
0x7b: {  	_ =	shalt  }
0x7c: {  	_ =	shalt  }
0x7d: {  	_ =	shalt  }
0x7e: {  	_ =	shalt  }
0x7f: {  	_ =	shalt  }
0x80: {  	_ =	shalt  }
0x81: {  	_ =	shalt  }
0x82: {  	_ =	shalt  }
0x83: {  	_ =	shalt  }
0x84: {  	_ =	shalt  }
0x85: {  	_ =	shalt  }
0x86: {  	_ =	shalt  }
0x87: {  	_ =	shalt  }
.Lfunc_end0:
.L_simem_size_0:
called_computation_lowered:
.L_overlay_start_0:
0x88: {  	s2 =	sld [smem:$0x3FD9]  }
0x89: {  	s3 =	sld [smem:$0x3FFE];
	_ =	sdelay $0x1  }
0x8a: {  	s1 =	srdreg.scid  }
0x8b: {  	s0 =	sand.u32 $0x1, s1  }
0x8c: {  	s18 =	sshll.u32 s0, $0xA;
	s2 =	sadd.s32 s3, s2  }
0x8d: {  	s2 =	sadd.s32 s2, s18  }
0x8e: {  	[smem:$0x3FC4] =	sst s2  }
0x8f: {  	_ = 	snop  }
0x90: {  	s2 =	sld [smem:$0x3FC9]  }
0x91: {  	s19 =	sld [smem:$0x3FC8]  }
0x92: {  	s4 =	sld [smem:$0x3FC7]  }
0x93: {  	s5 =	sld [smem:$0x3FC6]  }
0x94: {  	s6 =	sld [smem:$0x3FD0];
	(tm) =	ssettm $0x1  }
0x95: {  	s7 =	sld [smem:$0x3FFB];
	_ =	sdelay $0x3  }
0x96: {  	_ =	strace s7  }
0x97: {  	s7 =	sld [smem:$0x3FFC];
	_ =	sdelay $0x3  }
0x98: {  	_ =	strace s7  }
0x99: {  	s7 =	sld [smem:$0x3FFD];
	_ =	sdelay $0x3  }
0x9a: {  	_ =	strace s7  }
0x9b: {  	_ =	strace $0x8FFFFFFF  }
0x9c: {  	s20 =	sld [smem:$0x3FDB];
	_ =	sdelay $0x1  }
0x9d: {  	s8 =	simm.s32 $_scs_section_size  }
0x9e: {  	s9 =	simm.s32 $_size__tile_overlayer_lowered;
	s10 =	simm.s32 $_tile_overlayer_lowered  }
0x9f: {  	s23 =	simm.s32 $0x1BFF;
	s22 =	sshll.u32 s10, $0x1;
	s7 =	sadd.s32 s8, s20  }
0xa0: {  	s11 =	simm.s32 $0x0;
	s21 =	sshll.u32 s9, $0x1;
	s9 =	sadd.s32 s22, s7  }
0xa1: {  	[timem:s11], [sflag:s23] =	dma.local [hbm:s9], s21  }
0xa2: {  	_ =	swait.ge [sflag:s23], s21  }
0xa3: {  	s8 =	ssub.s32 $0x0, s21;
	[sflag:s23] =	ssyncset.done $0x0  }
0xa4: {  	[sflag:s23] =	ssyncadd.s32 s8;
	_ =	sdelay $0x1  }
0xa5: {  	s24 =	simm.s32 $0x1B8B  }
0xa6: {  	_ =	swait.ge [sflag:s24], $0x1  }
0xa7: {  	[sflag:s24] =	ssyncset.done $0x0  }
0xa8: {  	s25 =	simm.s32 $0x1B8E;
	[sflag:s24] =	ssyncadd.s32 $0xFFFFFFFF  }
0xa9: {  	s26 =	simm.s32 $execute0_lowered;
	[smem:$0x3FD2] =	sst s25  }
0xaa: {  	s8 =	sshll.u32 s26, $0x1;
	_ =	strace $0x80000046;
	[dreg:$0x1] =	wrdreg $0xFFFFFFFF  }
0xab: {  	s28 =	simm.s32 $_size_execute0_lowered;
	s7 =	sadd.s32 s7, s8;
	[dreg:$0x0] =	wrdreg $0x0  }
0xac: {  	s8 =	sshll.u32 s28, $0x1;
	[dreg:$0x2] =	wrdreg s7  }
0xad: {  	[dreg:$0x3] =	wrdreg s8  }
0xae: {  	[dreg:$0x4] =	wrdreg $0xC0  }
0xaf: {  	_ =	task [dreg:s11], $0x5FFFF  }
0xb0: {  	[dreg:$0x1] =	wrdreg $0xFFFFFFFF  }
0xb1: {  	[dreg:$0x0] =	wrdreg $0x60  }
0xb2: {  	[dreg:$0x2] =	wrdreg s2  }
0xb3: {  	[dreg:$0x3] =	wrdreg s19  }
0xb4: {  	[dreg:$0x4] =	wrdreg s4  }
0xb5: {  	[dreg:$0x5] =	wrdreg s5  }
0xb6: {  	[dreg:$0x6] =	wrdreg s6  }
0xb7: {  	[dreg:$0x7] =	wrdreg $0x9  }
0xb8: {  	_ =	task.clear_ibuf [dreg:s11], $0x8FFFF;
	_ =	strace $0x90000046  }
0xb9: {  	s29 =	simm.s32 $0x9;
	_ =	strace $0x80000048  }
0xba: {  	_ =	swait.ge [sflag:s29], $0x1  }
0xbb: {  	[sflag:s29] =	ssyncadd.s32 $0xFFFFFFFF  }
0xbc: {  	_ =	strace $0x90000048  }
0xbd: {  	_ =	sfence  }
0xbe: {  	s30 =	sld [smem:$0x0];
	_ =	sdelay $0x2  }
0xbf: {  	s31 =	sshll.u32 s1, $0xD;
	s1 =	sshrl.u32 s1, $0x2  }
0xc0: {  	s3 =	sand.u32 $0x4000, s31;
	s1 =	sadd.s32 s1, s30  }
0xc1: {  	s0 =	sor.u32 s3, s0;
	s1 =	sshll.u32 s1, $0x11  }
0xc2: {  	s0 =	sor.u32 s1, s0  }
0xc3: {  	s0 =	sadd.s32 $0x8F2B, s0  }
0xc4: {  	[sflag:s0] =	ssyncadd.remote.s32 $0x1  }
0xc5: {  	_ =	sfence.sel $0xFFFF  }
0xc6: {  	[dreg:$0x0] =	wrdreg $0xFFFFFFFF;
	(pc) =	sbr.abs _section_cstart, $3  }
0xc7: {  	[dreg:$0x1] =	wrdreg $0xFFFFFFFF  }
0xc8: {  	_ =	task.clear_ibuf [dreg:s11], $0x2FFFF;
	_ =	strace $0x9FFFFFFF  }
0xc9: {  	(tm) =	ssettm $0x7FFFFFFF  }
tec
execute0_lowered:
.L_overlay_start_1:
0x0: {  	(tag) =	ssettag $0x1  }
0x1: {  	s7 =	rddreg [dreg:$0x0]  }
0x2: {  	s1 =	rddreg [dreg:$0x1]  }
0x3: {  	s2 =	rddreg [dreg:$0x2]  }
0x4: {  	s4 =	rddreg [dreg:$0x3]  }
0x5: {  	s9 =	rddreg [dreg:$0x4]  }
0x6: {  	s0 =	rddreg [dreg:$0x5]  }
0x7: {  	s6 =	srdreg.scid;
	s3 =	stileid.u32;
	s5 =	simm.s32 $0x0  }
0x8: {  	s15 =	simm.s32 $0x1028;
	s16 =	simm.s32 $0x2228;
	s17 =	simm.s32 $0x2  }
0x9: {  	s18 =	simm.s32 $0x3;
	s19 =	simm.s32 $0x0;
	s10 =	sand.u32 $0x1, s6  }
0xa: {  	s30 =	sshll.u32 s3, $0x1;
	[smem:$0x7FF] =	sst s5;
	s13 =	sshll.u32 s3, $0xB  }
0xb: {  	s8 =	ssub.s32 $0x2, s10;
	s6 =	sor.u32 s10, s30;
	_ =	strace $0x80000047  }
.Ltmp0:
0xc: {  	s14 =	sshll.u32 s10, $0xA;
	s11 =	sshrl.u32 s8, $0x1;
	(pc) =	sbr.rel .LBB2_1-.Ltmp0, $4  }
0xd: {  	s12 =	sshll.u32 s6, $0x9;
	s6 =	sshll.u32 s6, $0xA;
	s31 =	sor.u32 s14, s13  }
0xe: {  	s13 =	simm.s32 $0x4;
	s14 =	simm.s32 $0x1;
	s11 =	ssub.s32 s8, s11  }
0xf: {  	s7 =	sadd.s32 s7, s12;
	s8 =	sadd.s32 $0x400, s6;
	s9 =	sadd.s32 s9, s12  }
0x10: {  	v0 =	vlaneseq.u32;
	s12 =	simm.s32 $0x28;
	s10 =	smax.u32 s11, $0x1;
	s11 =	sor.u32 $0x10, s31  }
.LBB2_13:
0x11: {  	s19 =	sadd.s32 $0x1, s19  }
0x12: {  	p0 =	sne.s32 s19, s10  }
.Ltmp1:
0x13: {  	_ = 	snop;
	(pc) =	sbr.rel @!p0 .LBB2_14-.Ltmp1, $4  }
0x14: {  	[hbm4b:s9+s5] =	stream.linear.scatter [tilespmem:s12], [sflag:$0x1], $0x1000, $0x38;
	[tilespmem:$0x5928] =	vst v63  }
0x15: {  	_ =	swait.ge [sflag:s14], $0x1000  }
0x16: {  	[sflag:s14] =	ssyncset.done $0x0  }
0x17: {  	[sflag:s14] =	ssyncadd.s32 $0xFFFFF000  }
.LBB2_1:
0x18: {  	[tilespmem:s12], [sflag:$0x1] =	stream.linear.gather [hbm4b:s7+s5], $0x1000, $0x38;
	[tilespmem:$0x5928] =	vst v63  }
0x19: {  	_ = 	snop  }
0x1a: {  	[tilespmem:s5], [sflag:$0x4] =	stream.linear.gather [hbm4b:s1+s5], $0x11, $0x38;
	[tilespmem:$0x5928] =	vst v63  }
0x1b: {  	_ =	swait.ge [sflag:s13], $0x11  }
.Ltmp2:
0x1c: {  	[sflag:s13] =	ssyncset.done $0x0;
	(pc) =	sbr.rel .LBB2_2-.Ltmp2, $4  }
0x1d: {  	[sflag:s13] =	ssyncadd.s32 $0xFFFFFFEF  }
0x1e: {  	_ =	swait.ge [sflag:s14], $0x1000  }
0x1f: {  	[sflag:s14] =	ssyncset.done $0x0  }
0x20: {  	s20 =	simm.s32 $0x0;
	[sflag:s14] =	ssyncadd.s32 $0xFFFFF000  }
.LBB2_7:
0x21: {  	s25 =	smov.u32 s21  }
.LBB2_11:
0x22: {  	s22 =	sor.u32 s22, s29;
	[tilespmem:s23+$0x1A8] =	vst @p0 v3  }
0x23: {  	v3 =	vld [tilespmem:s22+$0x46A8];
	_ =	sdelay $0x3  }
0x24: {  	s23 =	sadd.s32 @p0 $0x40, s25  }
0x25: {  	s21 =	smov.u32 @p0 s23;
	(erf) = vrcp.f32 v3  }
0x26: {  	s31 =	sand.u32 $0x70, s24;
	s21 =	sand.u32 $0xFFFFFE00, s21  }
0x27: {  	v4 =	vld [tilespmem:s22+$0x3428];
	s21 =	sor.u32 s31, s21  }
0x28: {  	v3 =	vld [tilespmem:s21+$0x28];
	_ =	sdelay $0x4  }
0x29: {  	v4 =	vsub.f32 v3, v4  }
0x2a: {  	v5 =	vor.u32 s24, v0;
	v6 =	vpop (erf)  }
0x2b: {  	vm0 =	vge.s32 v5, v1;
	vm1 =	vlt.s32 v5, v2;
	v1 =	vmul.f32 v6, v4  }
0x2c: {  	vm0 =	vmand vm0, vm1  }
0x2d: {  	v1 =	vsel vm0, v1, v3  }
0x2e: {  	[tilespmem:s21+$0x28] =	vst v1  }
0x2f: {  	v1 =	vld [tilespmem:s22+$0x4B48];
	_ =	sdelay $0x4  }
0x30: {  	(erf) = vrcp.f32 v1;
	_ =	sdelay $0x1  }
0x31: {  	v2 =	vld [tilespmem:s22+$0x38C8]  }
0x32: {  	v1 =	vld [tilespmem:s21+$0xA8];
	_ =	sdelay $0x4  }
0x33: {  	v2 =	vsub.f32 v1, v2  }
0x34: {  	v3 =	vpop (erf)  }
0x35: {  	v2 =	vmul.f32 v3, v2;
	_ =	sdelay $0x1  }
0x36: {  	v1 =	vsel vm0, v2, v1  }
0x37: {  	[tilespmem:s21+$0xA8] =	vst v1  }
0x38: {  	v1 =	vld [tilespmem:s22+$0x4FE8];
	_ =	sdelay $0x4  }
0x39: {  	(erf) = vrcp.f32 v1;
	_ =	sdelay $0x1  }
0x3a: {  	v2 =	vld [tilespmem:s21+$0x128]  }
0x3b: {  	v1 =	vld [tilespmem:s22+$0x3D68];
	_ =	sdelay $0x4  }
0x3c: {  	v1 =	vsub.f32 v2, v1  }
0x3d: {  	v3 =	vpop (erf)  }
0x3e: {  	v1 =	vmul.f32 v3, v1;
	_ =	sdelay $0x1  }
0x3f: {  	v1 =	vsel vm0, v1, v2  }
0x40: {  	[tilespmem:s21+$0x128] =	vst v1  }
0x41: {  	v1 =	vld [tilespmem:s22+$0x5488];
	_ =	sdelay $0x4  }
0x42: {  	(erf) = vrcp.f32 v1;
	_ =	sdelay $0x1  }
0x43: {  	v2 =	vld [tilespmem:s21+$0x1A8]  }
0x44: {  	v1 =	vld [tilespmem:s22+$0x4208];
	_ =	sdelay $0x4  }
0x45: {  	v1 =	vsub.f32 v2, v1  }
0x46: {  	v3 =	vpop (erf)  }
0x47: {  	v1 =	vmul.f32 v3, v1;
	_ =	sdelay $0x1  }
0x48: {  	v1 =	vsel vm0, v1, v2  }
0x49: {  	[tilespmem:s21+$0x1A8] =	vst v1  }
.LBB2_12:
0x4a: {  	s20 =	sadd.s32 $0x1, s20  }
0x4b: {  	p0 =	sne.s32 s20, $0x10  }
.Ltmp3:
0x4c: {  	_ = 	snop;
	(pc) =	sbr.rel @!p0 .LBB2_13-.Ltmp3, $1  }
0x4d: {  	_ =	sdelay $0x3  }
.LBB2_2:
0x4e: {  	v1 =	vld [tilespmem:s20+$0x0]  }
0x4f: {  	v2 =	vld [tilespmem:s20+$0x1];
	_ =	sdelay $0x3  }
0x50: {  	(v2sf) =	vpush v1, $0x0  }
0x51: {  	(v2sf) =	vpush v2, $0x0;
	_ =	sdelay $0xd  }
0x52: {  	s21 =	spop (v2sf)  }
0x53: {  	s24 =	spop (v2sf)  }
0x54: {  	p0 =	sle.s32 s24, s21  }
0x55: {  	p1 =	sge.s32 @!p0 s21, s8  }
0x56: {  	p0 =	por p0, p1  }
0x57: {  	p1 =	sle.s32 @!p0 s24, s6  }
0x58: {  	p0 =	por p0, p1  }
.Ltmp4:
0x59: {  	_ = 	snop;
	(pc) =	sbr.rel @p0 .LBB2_12-.Ltmp4, $1  }
0x5a: {  	_ =	sdelay $0x3  }
0x5b: {  	s22 =	ssub.s32 s6, s21  }
0x5c: {  	p0 =	sgt.s32 s22, $0x0;
	s23 =	smov.u32 s22  }
0x5d: {  	s23 =	simm.s32 @!p0 $0x0  }
0x5e: {  	s23 =	sshrl.u32 s23, $0x7  }
0x5f: {  	s23 =	smin.u32 s23, $0xF7  }
0x60: {  	s25 =	sshll.u32 s23, $0x6  }
0x61: {  	s28 =	simm.s32 $0x0;
	s26 =	sadd.s32 s2, s25  }
0x62: {  	[tilespmem:s15], [sflag:$0x2] =	stream.linear.gather [hbm4b:s26+s28], $0x1200, $0x38;
	[tilespmem:$0x5928] =	vst v63  }
0x63: {  	s25 =	sadd.s32 s4, s25  }
0x64: {  	[tilespmem:s16], [sflag:$0x3] =	stream.linear.gather [hbm4b:s25+s28], $0x1200, $0x38;
	[tilespmem:$0x5928] =	vst v63  }
0x65: {  	_ =	swait.ge [sflag:s17], $0x1200  }
0x66: {  	[sflag:s17] =	ssyncset.done $0x0  }
0x67: {  	[sflag:s17] =	ssyncadd.s32 $0xFFFFEE00  }
0x68: {  	_ =	swait.ge [sflag:s18], $0x1200  }
0x69: {  	[sflag:s18] =	ssyncset.done $0x0  }
0x6a: {  	s28 =	simm.s32 $0x1128;
	[sflag:s18] =	ssyncadd.s32 $0xFFFFEE00  }
0x6b: {  	v1 =	vld [tilespmem:s28+$0xFFFFFF00];
	_ =	sdelay $0x3  }
0x6c: {  	s31 =	simm.s32 $0x0  }
0x6d: {  	s25 =	simm.s32 $0x2328;
	[tilespmem:s31+$0x3438] =	vst v1  }
0x6e: {  	v1 =	vld [tilespmem:s25+$0xFFFFFF00];
	_ =	sdelay $0x4  }
0x6f: {  	[tilespmem:s31+$0x46B8] =	vst v1  }
0x70: {  	v1 =	vld [tilespmem:s28+$0xFFFFFF10];
	_ =	sdelay $0x4  }
0x71: {  	[tilespmem:s31+$0x3448] =	vst v1  }
0x72: {  	v1 =	vld [tilespmem:s25+$0xFFFFFF10];
	_ =	sdelay $0x4  }
0x73: {  	[tilespmem:s31+$0x46C8] =	vst v1  }
0x74: {  	v1 =	vld [tilespmem:s28+$0xFFFFFF20];
	_ =	sdelay $0x4  }
0x75: {  	[tilespmem:s31+$0x3458] =	vst v1  }
0x76: {  	v1 =	vld [tilespmem:s25+$0xFFFFFF20];
	_ =	sdelay $0x4  }
0x77: {  	[tilespmem:s31+$0x46D8] =	vst v1  }
0x78: {  	v1 =	vld [tilespmem:s28+$0xFFFFFF30];
	_ =	sdelay $0x4  }
0x79: {  	[tilespmem:s31+$0x3468] =	vst v1  }
0x7a: {  	v1 =	vld [tilespmem:s25+$0xFFFFFF30];
	_ =	sdelay $0x4  }
0x7b: {  	[tilespmem:s31+$0x46E8] =	vst v1  }
0x7c: {  	v1 =	vld [tilespmem:s28+$0xFFFFFF40];
	_ =	sdelay $0x4  }
0x7d: {  	[tilespmem:s31+$0x3478] =	vst v1  }
0x7e: {  	v1 =	vld [tilespmem:s25+$0xFFFFFF40];
	_ =	sdelay $0x4  }
0x7f: {  	[tilespmem:s31+$0x46F8] =	vst v1  }
0x80: {  	v1 =	vld [tilespmem:s28+$0xFFFFFF50];
	_ =	sdelay $0x4  }
0x81: {  	[tilespmem:s31+$0x3488] =	vst v1  }
0x82: {  	v1 =	vld [tilespmem:s25+$0xFFFFFF50];
	_ =	sdelay $0x4  }
0x83: {  	[tilespmem:s31+$0x4708] =	vst v1  }
0x84: {  	v1 =	vld [tilespmem:s28+$0xFFFFFF60];
	_ =	sdelay $0x4  }
0x85: {  	[tilespmem:s31+$0x3498] =	vst v1  }
0x86: {  	v1 =	vld [tilespmem:s25+$0xFFFFFF60];
	_ =	sdelay $0x4  }
0x87: {  	[tilespmem:s31+$0x4718] =	vst v1  }
0x88: {  	v1 =	vld [tilespmem:s28+$0xFFFFFF70];
	_ =	sdelay $0x4  }
0x89: {  	[tilespmem:s31+$0x34A8] =	vst v1  }
0x8a: {  	v1 =	vld [tilespmem:s25+$0xFFFFFF70];
	_ =	sdelay $0x4  }
0x8b: {  	[tilespmem:s31+$0x4728] =	vst v1  }
0x8c: {  	v1 =	vld [tilespmem:s28+$0xFFFFFF80];
	_ =	sdelay $0x4  }
0x8d: {  	[tilespmem:s31+$0x38D8] =	vst v1  }
0x8e: {  	v1 =	vld [tilespmem:s25+$0xFFFFFF80];
	_ =	sdelay $0x4  }
0x8f: {  	[tilespmem:s31+$0x4B58] =	vst v1  }
0x90: {  	v1 =	vld [tilespmem:s28+$0xFFFFFF90];
	_ =	sdelay $0x4  }
0x91: {  	[tilespmem:s31+$0x38E8] =	vst v1  }
0x92: {  	v1 =	vld [tilespmem:s25+$0xFFFFFF90];
	_ =	sdelay $0x4  }
0x93: {  	[tilespmem:s31+$0x4B68] =	vst v1  }
0x94: {  	v1 =	vld [tilespmem:s28+$0xFFFFFFA0];
	_ =	sdelay $0x4  }
0x95: {  	[tilespmem:s31+$0x38F8] =	vst v1  }
0x96: {  	v1 =	vld [tilespmem:s25+$0xFFFFFFA0];
	_ =	sdelay $0x4  }
0x97: {  	[tilespmem:s31+$0x4B78] =	vst v1  }
0x98: {  	v1 =	vld [tilespmem:s28+$0xFFFFFFB0];
	_ =	sdelay $0x4  }
0x99: {  	[tilespmem:s31+$0x3908] =	vst v1  }
0x9a: {  	v1 =	vld [tilespmem:s25+$0xFFFFFFB0];
	_ =	sdelay $0x4  }
0x9b: {  	[tilespmem:s31+$0x4B88] =	vst v1  }
0x9c: {  	v1 =	vld [tilespmem:s28+$0xFFFFFFC0];
	_ =	sdelay $0x4  }
0x9d: {  	[tilespmem:s31+$0x3918] =	vst v1  }
0x9e: {  	v1 =	vld [tilespmem:s25+$0xFFFFFFC0];
	_ =	sdelay $0x4  }
0x9f: {  	[tilespmem:s31+$0x4B98] =	vst v1  }
0xa0: {  	v1 =	vld [tilespmem:s28+$0xFFFFFFD0];
	_ =	sdelay $0x4  }
0xa1: {  	[tilespmem:s31+$0x3928] =	vst v1  }
0xa2: {  	v1 =	vld [tilespmem:s25+$0xFFFFFFD0];
	_ =	sdelay $0x4  }
0xa3: {  	[tilespmem:s31+$0x4BA8] =	vst v1  }
0xa4: {  	v1 =	vld [tilespmem:s28+$0xFFFFFFE0];
	_ =	sdelay $0x4  }
0xa5: {  	[tilespmem:s31+$0x3938] =	vst v1  }
0xa6: {  	v1 =	vld [tilespmem:s25+$0xFFFFFFE0];
	_ =	sdelay $0x4  }
0xa7: {  	[tilespmem:s31+$0x4BB8] =	vst v1  }
0xa8: {  	v1 =	vld [tilespmem:s28+$0xFFFFFFF0];
	_ =	sdelay $0x4  }
0xa9: {  	[tilespmem:s31+$0x3948] =	vst v1  }
0xaa: {  	v1 =	vld [tilespmem:s25+$0xFFFFFFF0];
	_ =	sdelay $0x4  }
0xab: {  	[tilespmem:s31+$0x4BC8] =	vst v1  }
0xac: {  	v1 =	vld [tilespmem:s28+$0x0];
	_ =	sdelay $0x4  }
0xad: {  	[tilespmem:s31+$0x3D78] =	vst v1  }
0xae: {  	v1 =	vld [tilespmem:s25+$0x0];
	_ =	sdelay $0x4  }
0xaf: {  	[tilespmem:s31+$0x4FF8] =	vst v1  }
0xb0: {  	v1 =	vld [tilespmem:s28+$0x10];
	_ =	sdelay $0x4  }
0xb1: {  	[tilespmem:s31+$0x3D88] =	vst v1  }
0xb2: {  	v1 =	vld [tilespmem:s25+$0x10];
	_ =	sdelay $0x4  }
0xb3: {  	[tilespmem:s31+$0x5008] =	vst v1  }
0xb4: {  	v1 =	vld [tilespmem:s28+$0x20];
	_ =	sdelay $0x4  }
0xb5: {  	[tilespmem:s31+$0x3D98] =	vst v1  }
0xb6: {  	v1 =	vld [tilespmem:s25+$0x20];
	_ =	sdelay $0x4  }
0xb7: {  	[tilespmem:s31+$0x5018] =	vst v1  }
0xb8: {  	v1 =	vld [tilespmem:s28+$0x30];
	_ =	sdelay $0x4  }
0xb9: {  	[tilespmem:s31+$0x3DA8] =	vst v1  }
0xba: {  	v1 =	vld [tilespmem:s25+$0x30];
	_ =	sdelay $0x4  }
0xbb: {  	[tilespmem:s31+$0x5028] =	vst v1  }
0xbc: {  	v1 =	vld [tilespmem:s28+$0x40];
	_ =	sdelay $0x4  }
0xbd: {  	[tilespmem:s31+$0x3DB8] =	vst v1  }
0xbe: {  	v1 =	vld [tilespmem:s25+$0x40];
	_ =	sdelay $0x4  }
0xbf: {  	[tilespmem:s31+$0x5038] =	vst v1  }
0xc0: {  	v1 =	vld [tilespmem:s28+$0x50];
	_ =	sdelay $0x4  }
0xc1: {  	[tilespmem:s31+$0x3DC8] =	vst v1  }
0xc2: {  	v1 =	vld [tilespmem:s25+$0x50];
	_ =	sdelay $0x4  }
0xc3: {  	[tilespmem:s31+$0x5048] =	vst v1  }
0xc4: {  	v1 =	vld [tilespmem:s28+$0x60];
	_ =	sdelay $0x4  }
0xc5: {  	[tilespmem:s31+$0x3DD8] =	vst v1  }
0xc6: {  	v1 =	vld [tilespmem:s25+$0x60];
	_ =	sdelay $0x4  }
0xc7: {  	[tilespmem:s31+$0x5058] =	vst v1  }
0xc8: {  	v1 =	vld [tilespmem:s28+$0x70];
	_ =	sdelay $0x4  }
0xc9: {  	[tilespmem:s31+$0x3DE8] =	vst v1  }
0xca: {  	v1 =	vld [tilespmem:s25+$0x70];
	_ =	sdelay $0x4  }
0xcb: {  	[tilespmem:s31+$0x5068] =	vst v1  }
0xcc: {  	v1 =	vld [tilespmem:s28+$0x80];
	_ =	sdelay $0x4  }
0xcd: {  	[tilespmem:s31+$0x4218] =	vst v1  }
0xce: {  	v1 =	vld [tilespmem:s25+$0x80];
	_ =	sdelay $0x4  }
0xcf: {  	[tilespmem:s31+$0x5498] =	vst v1  }
0xd0: {  	v1 =	vld [tilespmem:s28+$0x90];
	_ =	sdelay $0x4  }
0xd1: {  	[tilespmem:s31+$0x4228] =	vst v1  }
0xd2: {  	v1 =	vld [tilespmem:s25+$0x90];
	_ =	sdelay $0x4  }
0xd3: {  	[tilespmem:s31+$0x54A8] =	vst v1  }
0xd4: {  	v1 =	vld [tilespmem:s28+$0xA0];
	_ =	sdelay $0x4  }
0xd5: {  	[tilespmem:s31+$0x4238] =	vst v1  }
0xd6: {  	v1 =	vld [tilespmem:s25+$0xA0];
	_ =	sdelay $0x4  }
0xd7: {  	[tilespmem:s31+$0x54B8] =	vst v1  }
0xd8: {  	v1 =	vld [tilespmem:s28+$0xB0];
	_ =	sdelay $0x4  }
0xd9: {  	[tilespmem:s31+$0x4248] =	vst v1  }
0xda: {  	v1 =	vld [tilespmem:s25+$0xB0];
	_ =	sdelay $0x4  }
0xdb: {  	[tilespmem:s31+$0x54C8] =	vst v1  }
0xdc: {  	v1 =	vld [tilespmem:s28+$0xC0];
	_ =	sdelay $0x4  }
0xdd: {  	[tilespmem:s31+$0x4258] =	vst v1  }
0xde: {  	v1 =	vld [tilespmem:s25+$0xC0];
	_ =	sdelay $0x4  }
0xdf: {  	[tilespmem:s31+$0x54D8] =	vst v1  }
0xe0: {  	v1 =	vld [tilespmem:s28+$0xD0];
	_ =	sdelay $0x4  }
0xe1: {  	[tilespmem:s31+$0x4268] =	vst v1  }
0xe2: {  	v1 =	vld [tilespmem:s25+$0xD0];
	_ =	sdelay $0x4  }
0xe3: {  	[tilespmem:s31+$0x54E8] =	vst v1  }
0xe4: {  	v1 =	vld [tilespmem:s28+$0xE0];
	_ =	sdelay $0x4  }
0xe5: {  	[tilespmem:s31+$0x4278] =	vst v1  }
0xe6: {  	v1 =	vld [tilespmem:s25+$0xE0];
	_ =	sdelay $0x4  }
0xe7: {  	[tilespmem:s31+$0x54F8] =	vst v1  }
0xe8: {  	v1 =	vld [tilespmem:s28+$0xF0];
	_ =	sdelay $0x4  }
0xe9: {  	[tilespmem:s31+$0x4288] =	vst v1  }
0xea: {  	v1 =	vld [tilespmem:s25+$0xF0];
	_ =	sdelay $0x4  }
0xeb: {  	s26 =	simm.s32 $0x1328;
	[tilespmem:s31+$0x5508] =	vst v1  }
0xec: {  	s29 =	simm.s32 $0x400;
	s28 =	simm.s32 $0x200;
	v1 =	vld [tilespmem:s26+$0xFFFFFF00]  }
.LBB2_4:
0xed: {  	p0 =	sne.s32 s29, $0x1000;
	_ =	sdelay $0x2  }
0xee: {  	s30 =	sshra.s32 s28, $0x2;
	s28 =	smov.u32 s29  }
0xef: {  	s25 =	sadd.s32 $0x200, s25;
	[tilespmem:s30+$0x3438] =	vst v1  }
0xf0: {  	v1 =	vld [tilespmem:s25+$0xFFFFFF00];
	_ =	sdelay $0x4  }
0xf1: {  	[tilespmem:s30+$0x46B8] =	vst v1  }
0xf2: {  	v1 =	vld [tilespmem:s26+$0xFFFFFF10];
	_ =	sdelay $0x4  }
0xf3: {  	[tilespmem:s30+$0x3448] =	vst v1  }
0xf4: {  	v1 =	vld [tilespmem:s25+$0xFFFFFF10];
	_ =	sdelay $0x4  }
0xf5: {  	[tilespmem:s30+$0x46C8] =	vst v1  }
0xf6: {  	v1 =	vld [tilespmem:s26+$0xFFFFFF20];
	_ =	sdelay $0x4  }
0xf7: {  	[tilespmem:s30+$0x3458] =	vst v1  }
0xf8: {  	v1 =	vld [tilespmem:s25+$0xFFFFFF20];
	_ =	sdelay $0x4  }
0xf9: {  	[tilespmem:s30+$0x46D8] =	vst v1  }
0xfa: {  	v1 =	vld [tilespmem:s26+$0xFFFFFF30];
	_ =	sdelay $0x4  }
0xfb: {  	[tilespmem:s30+$0x3468] =	vst v1  }
0xfc: {  	v1 =	vld [tilespmem:s25+$0xFFFFFF30];
	_ =	sdelay $0x4  }
0xfd: {  	[tilespmem:s30+$0x46E8] =	vst v1  }
0xfe: {  	v1 =	vld [tilespmem:s26+$0xFFFFFF40];
	_ =	sdelay $0x4  }
0xff: {  	[tilespmem:s30+$0x3478] =	vst v1  }
0x100: {  	v1 =	vld [tilespmem:s25+$0xFFFFFF40];
	_ =	sdelay $0x4  }
0x101: {  	[tilespmem:s30+$0x46F8] =	vst v1  }
0x102: {  	v1 =	vld [tilespmem:s26+$0xFFFFFF50];
	_ =	sdelay $0x4  }
0x103: {  	[tilespmem:s30+$0x3488] =	vst v1  }
0x104: {  	v1 =	vld [tilespmem:s25+$0xFFFFFF50];
	_ =	sdelay $0x4  }
0x105: {  	[tilespmem:s30+$0x4708] =	vst v1  }
0x106: {  	v1 =	vld [tilespmem:s26+$0xFFFFFF60];
	_ =	sdelay $0x4  }
0x107: {  	[tilespmem:s30+$0x3498] =	vst v1  }
0x108: {  	v1 =	vld [tilespmem:s25+$0xFFFFFF60];
	_ =	sdelay $0x4  }
0x109: {  	[tilespmem:s30+$0x4718] =	vst v1  }
0x10a: {  	v1 =	vld [tilespmem:s26+$0xFFFFFF70];
	_ =	sdelay $0x4  }
0x10b: {  	[tilespmem:s30+$0x34A8] =	vst v1  }
0x10c: {  	v1 =	vld [tilespmem:s25+$0xFFFFFF70];
	_ =	sdelay $0x4  }
0x10d: {  	[tilespmem:s30+$0x4728] =	vst v1  }
0x10e: {  	v1 =	vld [tilespmem:s26+$0xFFFFFF80];
	_ =	sdelay $0x4  }
0x10f: {  	[tilespmem:s30+$0x38D8] =	vst v1  }
0x110: {  	v1 =	vld [tilespmem:s25+$0xFFFFFF80];
	_ =	sdelay $0x4  }
0x111: {  	[tilespmem:s30+$0x4B58] =	vst v1  }
0x112: {  	v1 =	vld [tilespmem:s26+$0xFFFFFF90];
	_ =	sdelay $0x4  }
0x113: {  	[tilespmem:s30+$0x38E8] =	vst v1  }
0x114: {  	v1 =	vld [tilespmem:s25+$0xFFFFFF90];
	_ =	sdelay $0x4  }
0x115: {  	[tilespmem:s30+$0x4B68] =	vst v1  }
0x116: {  	v1 =	vld [tilespmem:s26+$0xFFFFFFA0];
	_ =	sdelay $0x4  }
0x117: {  	[tilespmem:s30+$0x38F8] =	vst v1  }
0x118: {  	v1 =	vld [tilespmem:s25+$0xFFFFFFA0];
	_ =	sdelay $0x4  }
0x119: {  	[tilespmem:s30+$0x4B78] =	vst v1  }
0x11a: {  	v1 =	vld [tilespmem:s26+$0xFFFFFFB0];
	_ =	sdelay $0x4  }
0x11b: {  	[tilespmem:s30+$0x3908] =	vst v1  }
0x11c: {  	v1 =	vld [tilespmem:s25+$0xFFFFFFB0];
	_ =	sdelay $0x4  }
0x11d: {  	[tilespmem:s30+$0x4B88] =	vst v1  }
0x11e: {  	v1 =	vld [tilespmem:s26+$0xFFFFFFC0];
	_ =	sdelay $0x4  }
0x11f: {  	[tilespmem:s30+$0x3918] =	vst v1  }
0x120: {  	v1 =	vld [tilespmem:s25+$0xFFFFFFC0];
	_ =	sdelay $0x4  }
0x121: {  	[tilespmem:s30+$0x4B98] =	vst v1  }
0x122: {  	v1 =	vld [tilespmem:s26+$0xFFFFFFD0];
	_ =	sdelay $0x4  }
0x123: {  	[tilespmem:s30+$0x3928] =	vst v1  }
0x124: {  	v1 =	vld [tilespmem:s25+$0xFFFFFFD0];
	_ =	sdelay $0x4  }
0x125: {  	[tilespmem:s30+$0x4BA8] =	vst v1  }
0x126: {  	v1 =	vld [tilespmem:s26+$0xFFFFFFE0];
	_ =	sdelay $0x4  }
0x127: {  	[tilespmem:s30+$0x3938] =	vst v1  }
0x128: {  	v1 =	vld [tilespmem:s25+$0xFFFFFFE0];
	_ =	sdelay $0x4  }
0x129: {  	[tilespmem:s30+$0x4BB8] =	vst v1  }
0x12a: {  	v1 =	vld [tilespmem:s26+$0xFFFFFFF0];
	_ =	sdelay $0x4  }
0x12b: {  	[tilespmem:s30+$0x3948] =	vst v1  }
0x12c: {  	v1 =	vld [tilespmem:s25+$0xFFFFFFF0];
	_ =	sdelay $0x4  }
0x12d: {  	[tilespmem:s30+$0x4BC8] =	vst v1  }
0x12e: {  	v1 =	vld [tilespmem:s26+$0x0];
	_ =	sdelay $0x4  }
0x12f: {  	[tilespmem:s30+$0x3D78] =	vst v1  }
0x130: {  	v1 =	vld [tilespmem:s25+$0x0];
	_ =	sdelay $0x4  }
0x131: {  	[tilespmem:s30+$0x4FF8] =	vst v1  }
0x132: {  	v1 =	vld [tilespmem:s26+$0x10];
	_ =	sdelay $0x4  }
0x133: {  	[tilespmem:s30+$0x3D88] =	vst v1  }
0x134: {  	v1 =	vld [tilespmem:s25+$0x10];
	_ =	sdelay $0x4  }
0x135: {  	[tilespmem:s30+$0x5008] =	vst v1  }
0x136: {  	v1 =	vld [tilespmem:s26+$0x20];
	_ =	sdelay $0x4  }
0x137: {  	[tilespmem:s30+$0x3D98] =	vst v1  }
0x138: {  	v1 =	vld [tilespmem:s25+$0x20];
	_ =	sdelay $0x4  }
0x139: {  	[tilespmem:s30+$0x5018] =	vst v1  }
0x13a: {  	v1 =	vld [tilespmem:s26+$0x30];
	_ =	sdelay $0x4  }
0x13b: {  	[tilespmem:s30+$0x3DA8] =	vst v1  }
0x13c: {  	v1 =	vld [tilespmem:s25+$0x30];
	_ =	sdelay $0x4  }
0x13d: {  	[tilespmem:s30+$0x5028] =	vst v1  }
0x13e: {  	v1 =	vld [tilespmem:s26+$0x40];
	_ =	sdelay $0x4  }
0x13f: {  	[tilespmem:s30+$0x3DB8] =	vst v1  }
0x140: {  	v1 =	vld [tilespmem:s25+$0x40];
	_ =	sdelay $0x4  }
0x141: {  	[tilespmem:s30+$0x5038] =	vst v1  }
0x142: {  	v1 =	vld [tilespmem:s26+$0x50];
	_ =	sdelay $0x4  }
0x143: {  	[tilespmem:s30+$0x3DC8] =	vst v1  }
0x144: {  	v1 =	vld [tilespmem:s25+$0x50];
	_ =	sdelay $0x4  }
0x145: {  	[tilespmem:s30+$0x5048] =	vst v1  }
0x146: {  	v1 =	vld [tilespmem:s26+$0x60];
	_ =	sdelay $0x4  }
0x147: {  	[tilespmem:s30+$0x3DD8] =	vst v1  }
0x148: {  	v1 =	vld [tilespmem:s25+$0x60];
	_ =	sdelay $0x4  }
0x149: {  	[tilespmem:s30+$0x5058] =	vst v1  }
0x14a: {  	v1 =	vld [tilespmem:s26+$0x70];
	_ =	sdelay $0x4  }
0x14b: {  	[tilespmem:s30+$0x3DE8] =	vst v1  }
0x14c: {  	v1 =	vld [tilespmem:s25+$0x70];
	_ =	sdelay $0x4  }
0x14d: {  	[tilespmem:s30+$0x5068] =	vst v1  }
0x14e: {  	v1 =	vld [tilespmem:s26+$0x80];
	_ =	sdelay $0x4  }
0x14f: {  	[tilespmem:s30+$0x4218] =	vst v1  }
0x150: {  	v1 =	vld [tilespmem:s25+$0x80];
	_ =	sdelay $0x4  }
0x151: {  	[tilespmem:s30+$0x5498] =	vst v1  }
0x152: {  	v1 =	vld [tilespmem:s26+$0x90];
	_ =	sdelay $0x4  }
0x153: {  	[tilespmem:s30+$0x4228] =	vst v1  }
0x154: {  	v1 =	vld [tilespmem:s25+$0x90];
	_ =	sdelay $0x4  }
0x155: {  	[tilespmem:s30+$0x54A8] =	vst v1  }
0x156: {  	v1 =	vld [tilespmem:s26+$0xA0];
	_ =	sdelay $0x4  }
0x157: {  	[tilespmem:s30+$0x4238] =	vst v1  }
0x158: {  	v1 =	vld [tilespmem:s25+$0xA0];
	_ =	sdelay $0x4  }
0x159: {  	[tilespmem:s30+$0x54B8] =	vst v1  }
0x15a: {  	v1 =	vld [tilespmem:s26+$0xB0];
	_ =	sdelay $0x4  }
0x15b: {  	[tilespmem:s30+$0x4248] =	vst v1  }
0x15c: {  	v1 =	vld [tilespmem:s25+$0xB0];
	_ =	sdelay $0x4  }
0x15d: {  	[tilespmem:s30+$0x54C8] =	vst v1  }
0x15e: {  	v1 =	vld [tilespmem:s26+$0xC0];
	_ =	sdelay $0x4  }
0x15f: {  	[tilespmem:s30+$0x4258] =	vst v1  }
0x160: {  	v1 =	vld [tilespmem:s25+$0xC0];
	_ =	sdelay $0x4  }
0x161: {  	[tilespmem:s30+$0x54D8] =	vst v1  }
0x162: {  	v1 =	vld [tilespmem:s26+$0xD0];
	_ =	sdelay $0x4  }
0x163: {  	[tilespmem:s30+$0x4268] =	vst v1  }
0x164: {  	v1 =	vld [tilespmem:s25+$0xD0];
	_ =	sdelay $0x4  }
0x165: {  	[tilespmem:s30+$0x54E8] =	vst v1  }
0x166: {  	v1 =	vld [tilespmem:s26+$0xE0];
	_ =	sdelay $0x4  }
0x167: {  	[tilespmem:s30+$0x4278] =	vst v1  }
0x168: {  	v1 =	vld [tilespmem:s25+$0xE0];
	_ =	sdelay $0x4  }
0x169: {  	[tilespmem:s30+$0x54F8] =	vst v1  }
0x16a: {  	v1 =	vld [tilespmem:s26+$0xF0];
	_ =	sdelay $0x4  }
0x16b: {  	[tilespmem:s30+$0x4288] =	vst v1  }
0x16c: {  	v1 =	vld [tilespmem:s25+$0xF0];
	_ =	sdelay $0x1  }
.Ltmp5:
0x16d: {  	(pc) =	sbr.rel @p0 .LBB2_4-.Ltmp5, $3  }
0x16e: {  	_ =	sdelay $0x1  }
0x16f: {  	s26 =	sadd.s32 $0x200, s26;
	[tilespmem:s30+$0x5508] =	vst v1  }
0x170: {  	s29 =	sadd.s32 $0x200, s29;
	v1 =	vld [tilespmem:s26+$0xFFFFFF00]  }
0x171: {  	_ =	sdelay $0x2  }
0x172: {  	s28 =	sshra.s32 s28, $0x2  }
0x173: {  	s25 =	sadd.s32 $0x200, s25;
	[tilespmem:s28+$0x3438] =	vst v1  }
0x174: {  	v1 =	vld [tilespmem:s25+$0xFFFFFF00];
	_ =	sdelay $0x4  }
0x175: {  	[tilespmem:s28+$0x46B8] =	vst v1  }
0x176: {  	v1 =	vld [tilespmem:s26+$0xFFFFFF10];
	_ =	sdelay $0x4  }
0x177: {  	[tilespmem:s28+$0x3448] =	vst v1  }
0x178: {  	v1 =	vld [tilespmem:s25+$0xFFFFFF10];
	_ =	sdelay $0x4  }
0x179: {  	[tilespmem:s28+$0x46C8] =	vst v1  }
0x17a: {  	v1 =	vld [tilespmem:s26+$0xFFFFFF20];
	_ =	sdelay $0x4  }
0x17b: {  	[tilespmem:s28+$0x3458] =	vst v1  }
0x17c: {  	v1 =	vld [tilespmem:s25+$0xFFFFFF20];
	_ =	sdelay $0x4  }
0x17d: {  	[tilespmem:s28+$0x46D8] =	vst v1  }
0x17e: {  	v1 =	vld [tilespmem:s26+$0xFFFFFF30];
	_ =	sdelay $0x4  }
0x17f: {  	[tilespmem:s28+$0x3468] =	vst v1  }
0x180: {  	v1 =	vld [tilespmem:s25+$0xFFFFFF30];
	_ =	sdelay $0x4  }
0x181: {  	[tilespmem:s28+$0x46E8] =	vst v1  }
0x182: {  	v1 =	vld [tilespmem:s26+$0xFFFFFF40];
	_ =	sdelay $0x4  }
0x183: {  	[tilespmem:s28+$0x3478] =	vst v1  }
0x184: {  	v1 =	vld [tilespmem:s25+$0xFFFFFF40];
	_ =	sdelay $0x4  }
0x185: {  	[tilespmem:s28+$0x46F8] =	vst v1  }
0x186: {  	v1 =	vld [tilespmem:s26+$0xFFFFFF50];
	_ =	sdelay $0x4  }
0x187: {  	[tilespmem:s28+$0x3488] =	vst v1  }
0x188: {  	v1 =	vld [tilespmem:s25+$0xFFFFFF50];
	_ =	sdelay $0x4  }
0x189: {  	[tilespmem:s28+$0x4708] =	vst v1  }
0x18a: {  	v1 =	vld [tilespmem:s26+$0xFFFFFF60];
	_ =	sdelay $0x4  }
0x18b: {  	[tilespmem:s28+$0x3498] =	vst v1  }
0x18c: {  	v1 =	vld [tilespmem:s25+$0xFFFFFF60];
	_ =	sdelay $0x4  }
0x18d: {  	[tilespmem:s28+$0x4718] =	vst v1  }
0x18e: {  	v1 =	vld [tilespmem:s26+$0xFFFFFF70];
	_ =	sdelay $0x4  }
0x18f: {  	[tilespmem:s28+$0x34A8] =	vst v1  }
0x190: {  	v1 =	vld [tilespmem:s25+$0xFFFFFF70];
	_ =	sdelay $0x4  }
0x191: {  	[tilespmem:s28+$0x4728] =	vst v1  }
0x192: {  	v1 =	vld [tilespmem:s26+$0xFFFFFF80];
	_ =	sdelay $0x4  }
0x193: {  	[tilespmem:s28+$0x38D8] =	vst v1  }
0x194: {  	v1 =	vld [tilespmem:s25+$0xFFFFFF80];
	_ =	sdelay $0x4  }
0x195: {  	[tilespmem:s28+$0x4B58] =	vst v1  }
0x196: {  	v1 =	vld [tilespmem:s26+$0xFFFFFF90];
	_ =	sdelay $0x4  }
0x197: {  	[tilespmem:s28+$0x38E8] =	vst v1  }
0x198: {  	v1 =	vld [tilespmem:s25+$0xFFFFFF90];
	_ =	sdelay $0x4  }
0x199: {  	[tilespmem:s28+$0x4B68] =	vst v1  }
0x19a: {  	v1 =	vld [tilespmem:s26+$0xFFFFFFA0];
	_ =	sdelay $0x4  }
0x19b: {  	[tilespmem:s28+$0x38F8] =	vst v1  }
0x19c: {  	v1 =	vld [tilespmem:s25+$0xFFFFFFA0];
	_ =	sdelay $0x4  }
0x19d: {  	[tilespmem:s28+$0x4B78] =	vst v1  }
0x19e: {  	v1 =	vld [tilespmem:s26+$0xFFFFFFB0];
	_ =	sdelay $0x4  }
0x19f: {  	[tilespmem:s28+$0x3908] =	vst v1  }
0x1a0: {  	v1 =	vld [tilespmem:s25+$0xFFFFFFB0];
	_ =	sdelay $0x4  }
0x1a1: {  	[tilespmem:s28+$0x4B88] =	vst v1  }
0x1a2: {  	v1 =	vld [tilespmem:s26+$0xFFFFFFC0];
	_ =	sdelay $0x4  }
0x1a3: {  	[tilespmem:s28+$0x3918] =	vst v1  }
0x1a4: {  	v1 =	vld [tilespmem:s25+$0xFFFFFFC0];
	_ =	sdelay $0x4  }
0x1a5: {  	[tilespmem:s28+$0x4B98] =	vst v1  }
0x1a6: {  	v1 =	vld [tilespmem:s26+$0xFFFFFFD0];
	_ =	sdelay $0x4  }
0x1a7: {  	[tilespmem:s28+$0x3928] =	vst v1  }
0x1a8: {  	v1 =	vld [tilespmem:s25+$0xFFFFFFD0];
	_ =	sdelay $0x4  }
0x1a9: {  	[tilespmem:s28+$0x4BA8] =	vst v1  }
0x1aa: {  	v1 =	vld [tilespmem:s26+$0xFFFFFFE0];
	_ =	sdelay $0x4  }
0x1ab: {  	[tilespmem:s28+$0x3938] =	vst v1  }
0x1ac: {  	v1 =	vld [tilespmem:s25+$0xFFFFFFE0];
	_ =	sdelay $0x4  }
0x1ad: {  	[tilespmem:s28+$0x4BB8] =	vst v1  }
0x1ae: {  	v1 =	vld [tilespmem:s26+$0xFFFFFFF0];
	_ =	sdelay $0x4  }
0x1af: {  	[tilespmem:s28+$0x3948] =	vst v1  }
0x1b0: {  	v1 =	vld [tilespmem:s25+$0xFFFFFFF0];
	_ =	sdelay $0x4  }
0x1b1: {  	[tilespmem:s28+$0x4BC8] =	vst v1  }
0x1b2: {  	v1 =	vld [tilespmem:s26+$0x0];
	_ =	sdelay $0x4  }
0x1b3: {  	[tilespmem:s28+$0x3D78] =	vst v1  }
0x1b4: {  	v1 =	vld [tilespmem:s25+$0x0];
	_ =	sdelay $0x4  }
0x1b5: {  	[tilespmem:s28+$0x4FF8] =	vst v1  }
0x1b6: {  	v1 =	vld [tilespmem:s26+$0x10];
	_ =	sdelay $0x4  }
0x1b7: {  	[tilespmem:s28+$0x3D88] =	vst v1  }
0x1b8: {  	v1 =	vld [tilespmem:s25+$0x10];
	_ =	sdelay $0x4  }
0x1b9: {  	[tilespmem:s28+$0x5008] =	vst v1  }
0x1ba: {  	v1 =	vld [tilespmem:s26+$0x20];
	_ =	sdelay $0x4  }
0x1bb: {  	[tilespmem:s28+$0x3D98] =	vst v1  }
0x1bc: {  	v1 =	vld [tilespmem:s25+$0x20];
	_ =	sdelay $0x4  }
0x1bd: {  	[tilespmem:s28+$0x5018] =	vst v1  }
0x1be: {  	v1 =	vld [tilespmem:s26+$0x30];
	_ =	sdelay $0x4  }
0x1bf: {  	[tilespmem:s28+$0x3DA8] =	vst v1  }
0x1c0: {  	v1 =	vld [tilespmem:s25+$0x30];
	_ =	sdelay $0x4  }
0x1c1: {  	[tilespmem:s28+$0x5028] =	vst v1  }
0x1c2: {  	v1 =	vld [tilespmem:s26+$0x40];
	_ =	sdelay $0x4  }
0x1c3: {  	[tilespmem:s28+$0x3DB8] =	vst v1  }
0x1c4: {  	v1 =	vld [tilespmem:s25+$0x40];
	_ =	sdelay $0x4  }
0x1c5: {  	[tilespmem:s28+$0x5038] =	vst v1  }
0x1c6: {  	v1 =	vld [tilespmem:s26+$0x50];
	_ =	sdelay $0x4  }
0x1c7: {  	[tilespmem:s28+$0x3DC8] =	vst v1  }
0x1c8: {  	v1 =	vld [tilespmem:s25+$0x50];
	_ =	sdelay $0x4  }
0x1c9: {  	[tilespmem:s28+$0x5048] =	vst v1  }
0x1ca: {  	v1 =	vld [tilespmem:s26+$0x60];
	_ =	sdelay $0x4  }
0x1cb: {  	[tilespmem:s28+$0x3DD8] =	vst v1  }
0x1cc: {  	v1 =	vld [tilespmem:s25+$0x60];
	_ =	sdelay $0x4  }
0x1cd: {  	[tilespmem:s28+$0x5058] =	vst v1  }
0x1ce: {  	v1 =	vld [tilespmem:s26+$0x70];
	_ =	sdelay $0x4  }
0x1cf: {  	[tilespmem:s28+$0x3DE8] =	vst v1  }
0x1d0: {  	v1 =	vld [tilespmem:s25+$0x70];
	_ =	sdelay $0x4  }
0x1d1: {  	[tilespmem:s28+$0x5068] =	vst v1  }
0x1d2: {  	v1 =	vld [tilespmem:s26+$0x80];
	_ =	sdelay $0x4  }
0x1d3: {  	[tilespmem:s28+$0x4218] =	vst v1  }
0x1d4: {  	v1 =	vld [tilespmem:s25+$0x80];
	_ =	sdelay $0x4  }
0x1d5: {  	[tilespmem:s28+$0x5498] =	vst v1  }
0x1d6: {  	v1 =	vld [tilespmem:s26+$0x90];
	_ =	sdelay $0x4  }
0x1d7: {  	[tilespmem:s28+$0x4228] =	vst v1  }
0x1d8: {  	v1 =	vld [tilespmem:s25+$0x90];
	_ =	sdelay $0x4  }
0x1d9: {  	[tilespmem:s28+$0x54A8] =	vst v1  }
0x1da: {  	v1 =	vld [tilespmem:s26+$0xA0];
	_ =	sdelay $0x4  }
0x1db: {  	[tilespmem:s28+$0x4238] =	vst v1  }
0x1dc: {  	v1 =	vld [tilespmem:s25+$0xA0];
	_ =	sdelay $0x4  }
0x1dd: {  	[tilespmem:s28+$0x54B8] =	vst v1  }
0x1de: {  	v1 =	vld [tilespmem:s26+$0xB0];
	_ =	sdelay $0x4  }
0x1df: {  	[tilespmem:s28+$0x4248] =	vst v1  }
0x1e0: {  	v1 =	vld [tilespmem:s25+$0xB0];
	_ =	sdelay $0x4  }
0x1e1: {  	[tilespmem:s28+$0x54C8] =	vst v1  }
0x1e2: {  	v1 =	vld [tilespmem:s26+$0xC0];
	_ =	sdelay $0x4  }
0x1e3: {  	[tilespmem:s28+$0x4258] =	vst v1  }
0x1e4: {  	v1 =	vld [tilespmem:s25+$0xC0];
	_ =	sdelay $0x4  }
0x1e5: {  	[tilespmem:s28+$0x54D8] =	vst v1  }
0x1e6: {  	v1 =	vld [tilespmem:s26+$0xD0];
	_ =	sdelay $0x4  }
0x1e7: {  	[tilespmem:s28+$0x4268] =	vst v1  }
0x1e8: {  	v1 =	vld [tilespmem:s25+$0xD0];
	_ =	sdelay $0x4  }
0x1e9: {  	[tilespmem:s28+$0x54E8] =	vst v1  }
0x1ea: {  	v1 =	vld [tilespmem:s26+$0xE0];
	_ =	sdelay $0x4  }
0x1eb: {  	[tilespmem:s28+$0x4278] =	vst v1  }
0x1ec: {  	v1 =	vld [tilespmem:s25+$0xE0];
	_ =	sdelay $0x4  }
0x1ed: {  	[tilespmem:s28+$0x54F8] =	vst v1  }
0x1ee: {  	v1 =	vld [tilespmem:s26+$0xF0]  }
0x1ef: {  	s29 =	ssub.s32 s24, s6  }
0x1f0: {  	s30 =	ssub.s32 s21, s6;
	p0 =	slt.s32 s29, $0x400  }
0x1f1: {  	s29 =	simm.s32 @!p0 $0x400;
	p0 =	sgt.s32 s30, $0x0  }
0x1f2: {  	s30 =	simm.s32 @!p0 $0x0;
	s26 =	sadd.s32 $0xFFFFFFFF, s29  }
0x1f3: {  	s31 =	sshrl.u32 s30, $0x4;
	s24 =	sshrl.u32 s26, $0x4;
	[tilespmem:s28+$0x4288] =	vst v1  }
0x1f4: {  	p0 =	sgt.u32 s31, s24;
	v1 =	vld [tilespmem:s25+$0xF0]  }
.Ltmp6:
0x1f5: {  	_ = 	snop;
	(pc) =	sbr.rel @p0 .LBB2_12-.Ltmp6, $2  }
0x1f6: {  	_ =	sdelay $0x2  }
0x1f7: {  	[tilespmem:s28+$0x5508] =	vst v1  }
0x1f8: {  	s25 =	sxor.u32 $0xFFFFFFFF, s24;
	s24 =	sshll.u32 s31, $0x4  }
0x1f9: {  	s25 =	sadd.s32 s31, s25;
	s26 =	sadd.s32 s24, s11  }
0x1fa: {  	s21 =	ssub.s32 s26, s21;
	s26 =	sadd.s32 $0x1, s25  }
0x1fb: {  	p1 =	seq.s32 s26, $0x0  }
.Ltmp7:
0x1fc: {  	_ = 	snop;
	(pc) =	sbr.rel @p1 .LBB2_7-.Ltmp7, $4  }
0x1fd: {  	_ = 	snop  }
0x1fe: {  	s23 =	sshll.u32 s23, $0x7  }
0x1ff: {  	s22 =	sand.u32 $0x7, s22;
	s25 =	ssub.s32 s21, s23  }
0x200: {  	v1 =	vmov s30;
	v2 =	vmov s29;
	p0 =	por $0x0, $0x0;
	s21 =	sshll.u32 s31, $0x6;
	s29 =	sand.u32 $0xFFFFFFF8, s25  }
0x201: {  	s28 =	sor.u32 s22, s29  }
0x202: {  	v3 =	vld [tilespmem:s28+$0x46A8];
	_ =	sdelay $0x4  }
0x203: {  	(erf) = vrcp.f32 v3  }
0x204: {  	s23 =	sand.u32 $0x70, s24;
	s29 =	sand.u32 $0xFFFFFE00, s21  }
0x205: {  	s23 =	sor.u32 s23, s29;
	v4 =	vld [tilespmem:s28+$0x3428]  }
0x206: {  	v3 =	vld [tilespmem:s23+$0x28];
	_ =	sdelay $0x4  }
0x207: {  	v4 =	vsub.f32 v3, v4  }
0x208: {  	v5 =	vor.u32 s24, v0;
	v6 =	vpop (erf)  }
0x209: {  	vm0 =	vge.s32 v5, v1;
	vm1 =	vlt.s32 v5, v2;
	v4 =	vmul.f32 v6, v4  }
0x20a: {  	vm0 =	vmand vm0, vm1  }
0x20b: {  	v3 =	vsel vm0, v4, v3  }
0x20c: {  	[tilespmem:s23+$0x28] =	vst v3  }
0x20d: {  	v3 =	vld [tilespmem:s28+$0x4B48];
	_ =	sdelay $0x4  }
0x20e: {  	(erf) = vrcp.f32 v3;
	_ =	sdelay $0x1  }
0x20f: {  	v4 =	vld [tilespmem:s28+$0x38C8]  }
0x210: {  	v3 =	vld [tilespmem:s23+$0xA8];
	_ =	sdelay $0x4  }
0x211: {  	v4 =	vsub.f32 v3, v4  }
0x212: {  	v5 =	vpop (erf)  }
0x213: {  	v4 =	vmul.f32 v5, v4;
	_ =	sdelay $0x1  }
0x214: {  	v3 =	vsel vm0, v4, v3  }
0x215: {  	[tilespmem:s23+$0xA8] =	vst v3  }
0x216: {  	v3 =	vld [tilespmem:s28+$0x4FE8];
	_ =	sdelay $0x4  }
0x217: {  	(erf) = vrcp.f32 v3;
	_ =	sdelay $0x1  }
0x218: {  	v4 =	vld [tilespmem:s23+$0x128]  }
0x219: {  	v3 =	vld [tilespmem:s28+$0x3D68];
	_ =	sdelay $0x4  }
0x21a: {  	v3 =	vsub.f32 v4, v3  }
0x21b: {  	v5 =	vpop (erf)  }
0x21c: {  	v3 =	vmul.f32 v5, v3;
	_ =	sdelay $0x1  }
0x21d: {  	v3 =	vsel vm0, v3, v4  }
0x21e: {  	[tilespmem:s23+$0x128] =	vst v3  }
0x21f: {  	v3 =	vld [tilespmem:s28+$0x5488];
	_ =	sdelay $0x4  }
0x220: {  	(erf) = vrcp.f32 v3;
	_ =	sdelay $0x1  }
0x221: {  	v4 =	vld [tilespmem:s23+$0x1A8]  }
0x222: {  	v3 =	vld [tilespmem:s28+$0x4208];
	_ =	sdelay $0x2  }
0x223: {  	s26 =	sadd.s32 $0x1, s26  }
0x224: {  	p1 =	seq.s32 s26, $0x0  }
.Ltmp8:
0x225: {  	v3 =	vsub.f32 v4, v3;
	(pc) =	sbr.rel @p1 .LBB2_9-.Ltmp8, $4  }
0x226: {  	v5 =	vpop (erf)  }
0x227: {  	v3 =	vmul.f32 v5, v3  }
0x228: {  	s24 =	sadd.s32 $0x10, s24;
	s28 =	sadd.s32 $0x10, s25  }
0x229: {  	p0 =	por $0x1, $0x1;
	s25 =	smov.u32 s21;
	s29 =	sand.u32 $0xFFFFFFF8, s28;
	v3 =	vsel vm0, v3, v4  }
.LBB2_10:
0x22a: {  	s26 =	sadd.s32 $0x1, s26;
	s29 =	sor.u32 s22, s29;
	[tilespmem:s23+$0x1A8] =	vst v3;
	s25 =	sadd.s32 $0x40, s25  }
0x22b: {  	p1 =	seq.s32 s26, $0x0;
	v3 =	vld [tilespmem:s29+$0x46A8];
	_ =	sdelay $0x4  }
0x22c: {  	s23 =	sand.u32 $0x70, s24;
	s30 =	sand.u32 $0xFFFFFE00, s25;
	(erf) = vrcp.f32 v3  }
0x22d: {  	s23 =	sor.u32 s23, s30  }
0x22e: {  	v3 =	vld [tilespmem:s23+$0x28]  }
0x22f: {  	v4 =	vld [tilespmem:s29+$0x3428];
	_ =	sdelay $0x4  }
0x230: {  	v4 =	vsub.f32 v3, v4  }
0x231: {  	v5 =	vor.u32 s24, v0;
	v6 =	vpop (erf)  }
0x232: {  	vm0 =	vge.s32 v5, v1;
	vm1 =	vlt.s32 v5, v2;
	v4 =	vmul.f32 v6, v4  }
0x233: {  	vm0 =	vmand vm0, vm1  }
0x234: {  	v3 =	vsel vm0, v4, v3  }
0x235: {  	[tilespmem:s23+$0x28] =	vst v3  }
0x236: {  	v3 =	vld [tilespmem:s29+$0x4B48];
	_ =	sdelay $0x4  }
0x237: {  	(erf) = vrcp.f32 v3;
	_ =	sdelay $0x1  }
0x238: {  	v3 =	vld [tilespmem:s23+$0xA8]  }
0x239: {  	v4 =	vld [tilespmem:s29+$0x38C8];
	_ =	sdelay $0x4  }
0x23a: {  	v4 =	vsub.f32 v3, v4  }
0x23b: {  	v5 =	vpop (erf)  }
0x23c: {  	v4 =	vmul.f32 v5, v4;
	_ =	sdelay $0x1  }
0x23d: {  	v3 =	vsel vm0, v4, v3  }
0x23e: {  	[tilespmem:s23+$0xA8] =	vst v3  }
0x23f: {  	v3 =	vld [tilespmem:s29+$0x4FE8]  }
0x240: {  	v4 =	vld [tilespmem:s29+$0x3D68];
	_ =	sdelay $0x3  }
0x241: {  	(erf) = vrcp.f32 v3;
	_ =	sdelay $0x2  }
0x242: {  	v3 =	vld [tilespmem:s23+$0x128];
	_ =	sdelay $0x4  }
0x243: {  	v4 =	vsub.f32 v3, v4  }
0x244: {  	v5 =	vpop (erf)  }
0x245: {  	v4 =	vmul.f32 v5, v4;
	_ =	sdelay $0x1  }
0x246: {  	v3 =	vsel vm0, v4, v3  }
0x247: {  	[tilespmem:s23+$0x128] =	vst v3  }
0x248: {  	v3 =	vld [tilespmem:s29+$0x5488]  }
0x249: {  	v4 =	vld [tilespmem:s29+$0x4208];
	_ =	sdelay $0x3  }
0x24a: {  	(erf) = vrcp.f32 v3;
	_ =	sdelay $0x2  }
0x24b: {  	v3 =	vld [tilespmem:s23+$0x1A8];
	_ =	sdelay $0x4  }
.Ltmp9:
0x24c: {  	v4 =	vsub.f32 v3, v4;
	(pc) =	sbr.rel @!p1 .LBB2_10-.Ltmp9, $4  }
0x24d: {  	v5 =	vpop (erf)  }
0x24e: {  	v4 =	vmul.f32 v5, v4  }
0x24f: {  	s28 =	sadd.s32 $0x10, s28  }
0x250: {  	s24 =	sadd.s32 $0x10, s24;
	s29 =	sand.u32 $0xFFFFFFF8, s28;
	v3 =	vsel vm0, v4, v3  }
.Ltmp10:
0x251: {  	_ = 	snop;
	(pc) =	sbr.rel .LBB2_11-.Ltmp10, $1  }
0x252: {  	_ =	sdelay $0x3  }
.LBB2_9:
.Ltmp11:
0x253: {  	(pc) =	sbr.rel .LBB2_11-.Ltmp11, $2  }
0x254: {  	_ =	sdelay $0x2  }
0x255: {  	s25 =	smov.u32 s21  }
.LBB2_14:
0x256: {  	_ =	sfence.sel $0x180000  }
0x257: {  	[bflag:$0x0] =	sbarrier.arrive $0xFFFF  }
0x258: {  	p0 =	sne.s32 s3, $0x0;
	_ =	strace $0x90000047  }
0x259: {  	s0 =	sadd.s32 @!p0 $0x100000, s0;
	[bflag:$0x2] =	sbarrier.arrive $0xFFFF  }
0x25a: {  	[sflag:s0] =	ssyncadd.tile.s32 @!p0 $0x1;
	_ =	shalt  }
.Lfunc_end2:
_tile_overlayer_lowered:
.L_overlay_start_2:
0x25b: {  	(tag) =	ssettag $0x2  }
0x25c: {  	s0 =	rddreg [dreg:$0x0];
	s2 =	stileid.u32  }
0x25d: {  	s1 =	rddreg [dreg:$0x1];
	p0 =	sne.s32 s2, $0x0  }
0x25e: {  	s3 =	rddreg [dreg:$0x2];
	[bflag:$0x3] =	sbarrier.arrive $0xFFFF;
	s2 =	simm.s32 @!p0 $0x1C04  }
0x25f: {  	[timem:s3], [sflag:s2] =	dma.local @!p0 [hbm:s0], s1  }
0x260: {  	s0 =	simm.s32 @!p0 $0x4  }
0x261: {  	_ =	swait.ge @!p0 [sflag:s0], s1  }
0x262: {  	s1 =	ssub.s32 @!p0 $0x0, s1;
	[sflag:s0] =	ssyncset.done @!p0 $0x0  }
0x263: {  	[sflag:s0] =	ssyncadd.s32 @!p0 s1  }
0x264: {  	[bflag:$0x3] =	sbarrier.arrive $0xFFFF  }
0x265: {  	_ =	shalt  }

</sc_bundles>
